<compile_context>
chip_gen: v7x
topology: tpu7x:2x2x1
jax: 0.10.2.dev20260603
libtpu: 0.0.44.dev20260713+nightly
codegen_flags: <defaults>
</compile_context>

<pallas_src>
import jax
import jax.numpy as jnp
from jax import lax
from jax.experimental import pallas as pl
from jax.experimental.pallas import tpu as pltpu
from jax.experimental.pallas import tpu_sc as plsc

N = 1024
H = 16
V = 32
E = N * N

NC = 2
NS = 16
L = 16
NW = NC * NS
ROWS_W = N // NW
RC = 8
NCHUNK = ROWS_W // RC
CH = RC * N
HP = 8
NPASS = H // HP


def _sc_body(dist_hbm, tab_hbm, out_hbm, idx_v, tab_v, out_v, sem):
    wid = lax.axis_index("s") * NC + lax.axis_index("c")
    row0 = wid * ROWS_W
    base = row0 * N
    pltpu.sync_copy(tab_hbm, tab_v)

    def chunk_body(c, carry):
        r0 = row0 + c * RC
        off = base + c * CH
        pltpu.sync_copy(dist_hbm.at[pl.ds(r0, RC), :], idx_v)

        for p in range(NPASS):
            def grp_body(g, carry2):
                r = g // (N // L)
                s = pl.multiple_of((g % (N // L)) * L, L)
                d = idx_v[r, pl.ds(s, L)] * H
                vals = [plsc.load_gather(tab_v, [d + (p * HP + hh)])
                        for hh in range(HP)]
                fo = pl.multiple_of(g * L, L)
                for hh in range(HP):
                    out_v[hh, pl.ds(fo, L)] = vals[hh]
                return carry2

            lax.fori_loop(0, CH // L, grp_body, 0)
            copies = [
                pltpu.make_async_copy(
                    out_v.at[hh],
                    out_hbm.at[p * HP + hh, pl.ds(off, CH)], sem)
                for hh in range(HP)
            ]
            for cp in copies:
                cp.start()
            for cp in copies:
                cp.wait()
        return carry

    lax.fori_loop(0, NCHUNK, chunk_body, 0)


def kernel(distances, table):
    tab_flat = table.reshape(V * H)
    k = pl.kernel(
        _sc_body,
        out_type=jax.ShapeDtypeStruct((H, E), jnp.float32),
        mesh=plsc.VectorSubcoreMesh(core_axis_name="c", subcore_axis_name="s"),
        compiler_params=pltpu.CompilerParams(needs_layout_passes=False),
        scratch_types=[
            pltpu.VMEM((RC, N), jnp.int32),
            pltpu.VMEM((V * H,), jnp.float32),
            pltpu.VMEM((HP, CH), jnp.float32),
            pltpu.SemaphoreType.DMA,
        ],
    )
    out = k(distances.astype(jnp.int32), tab_flat)
    return out.reshape(H, N, N)

# --- scband reference (transcript-rebuilt; emitter-appended) ---
"""Pipeline reference for scband-graph-distance-bias-8349416424123 (READ-ONLY COPY).

The authoritative reference and input builder live on the scoring server;
editing this copy changes nothing except your own understanding.
"""

import jax, jax.numpy as jnp
import numpy as np

MAX_DIST = 30
NUM_HEADS = 16
VOCAB = MAX_DIST + 2  # 32; row 31 is the unreachable/padding row set to -inf
N = 1024


def setup_inputs(seed: int = 0) -> dict:
    key = jax.random.key(seed)
    k_idx, k_tab = jax.random.split(key)
    # distances already converted to fixed-distance long tensor: values in [0, MAX_DIST+1]
    distances = jax.random.randint(k_idx, (N, N), 0, VOCAB, dtype=jnp.int64)
    table = jax.random.normal(k_tab, (VOCAB, NUM_HEADS), dtype=jnp.float32)
    # padding_idx row (unreachable_mark) initialized to -inf, as in the torch module
    table = table.at[VOCAB - 1].set(jnp.float32(-jnp.inf))
    return {"distances": distances, "table": table}


def reference(distances, table):
    # as_fixed_distance_tensor clamping: entries > max_dist -> far_away_mark (no-op here
    # because inputs are already fixed indices in [0, max_dist+1])
    # _embed_distances: embedding lookup then permute(2, 0, 1)
    emb = jnp.take(table, distances, axis=0)          # [N, N, H]
    out = jnp.transpose(emb, (2, 0, 1))               # [H, N, N]
    return out

if __name__ == "__main__":
    import jax
    _d = setup_inputs()
    print(jax.jit(kernel)(*tuple(_d.values())))

</pallas_src>

<mosaic_0001>
#map = affine_map<(d0, d1) -> (0, 0)>
#map1 = affine_map<(d0, d1) -> (0)>
module attributes {stable_mosaic.version = 14 : i64} {
  func.func @_sc_body(%arg0: i32, %arg1: i32, %arg2: memref<1024x1024xi32, #tpu.memory_space<hbm>>, %arg3: memref<512xf32, #tpu.memory_space<hbm>>, %arg4: memref<16x1048576xf32, #tpu.memory_space<hbm>>, %arg5: memref<8x1024xi32, #tpu.memory_space<vmem>>, %arg6: memref<512xf32, #tpu.memory_space<vmem>>, %arg7: memref<8x8192xf32, #tpu.memory_space<vmem>>, %arg8: memref<!tpu.dma_semaphore, #tpu.memory_space<semaphore_mem>>) attributes {dimension_semantics = [#tpu.dimension_semantics<core_parallel>, #tpu.dimension_semantics<subcore_parallel>], iteration_bounds = array<i64: 2, 16>, scalar_prefetch = 0 : i64, scratch_operands = 4 : i64, tpu.core_type = #tpu.core_type<sc_vector_subcore>, window_params = [{transform_indices = #map}, {transform_indices = #map1}, {transform_indices = #map}]} {
    %mul3A = arith.constant 2 : i32
    %mul3A_0 = arith.muli %arg1, %mul3A : i32
    %add3A = arith.addi %mul3A_0, %arg0 : i32
    %mul3A_1 = arith.constant 32 : i32
    %mul3A_2 = arith.muli %add3A, %mul3A_1 : i32
    %mul3A_3 = arith.constant 1024 : i32
    %mul3A_4 = arith.muli %mul3A_2, %mul3A_3 : i32
    "tpu.region"() ({
      %run_scoped3A = tpu.sem_alloc : memref<!tpu.dma_semaphore, #tpu.memory_space<semaphore_mem>>
      tpu.enqueue_dma source(%arg3 : memref<512xf32, #tpu.memory_space<hbm>>) target(%arg6 : memref<512xf32, #tpu.memory_space<vmem>>) target_semaphore(%run_scoped3A : memref<!tpu.dma_semaphore, #tpu.memory_space<semaphore_mem>>)
      tpu.wait_dma2 semaphore(%run_scoped3A : memref<!tpu.dma_semaphore, #tpu.memory_space<semaphore_mem>>) src(%arg3 : memref<512xf32, #tpu.memory_space<hbm>>) dst(%arg6 : memref<512xf32, #tpu.memory_space<vmem>>)
      tpu.yield
    }) : () -> ()
    %scan3A = arith.constant 0 : i32
    %scan3A_5 = arith.constant 0 : i32
    %scan3A_6 = arith.constant 4 : i32
    %scan3A_7 = arith.addi %scan3A_5, %scan3A_6 : i32
    %scan3A_8 = arith.constant 1 : i32
    scf.for %scan3A_10 = %scan3A_5 to %scan3A_7 step %scan3A_8  : i32 {
      %mul3A_11 = arith.constant 8 : i32
      %mul3A_12 = arith.muli %scan3A_10, %mul3A_11 : i32
      %add3A_13 = arith.addi %mul3A_2, %mul3A_12 : i32
      %mul3A_14 = arith.constant 8192 : i32
      %mul3A_15 = arith.muli %scan3A_10, %mul3A_14 : i32
      %add3A_16 = arith.addi %mul3A_4, %mul3A_15 : i32
      "tpu.region"() ({
        %run_scoped3A = tpu.sem_alloc : memref<!tpu.dma_semaphore, #tpu.memory_space<semaphore_mem>>
        %dma_start3A_411 = arith.constant 0 : i32
        %dma_start3A_412 = tpu.memref_slice %arg2[%add3A_13, %dma_start3A_411] : memref<1024x1024xi32, #tpu.memory_space<hbm>> -> memref<8x1024xi32, #tpu.memory_space<hbm>>
        %dma_start3A_413 = arith.constant 0 : i32
        %dma_start3A_414 = tpu.memref_slice %arg2[%add3A_13, %dma_start3A_413] : memref<1024x1024xi32, #tpu.memory_space<hbm>> -> memref<8x1024xi32, #tpu.memory_space<hbm>>
        tpu.enqueue_dma source(%dma_start3A_414 : memref<8x1024xi32, #tpu.memory_space<hbm>>) target(%arg5 : memref<8x1024xi32, #tpu.memory_space<vmem>>) target_semaphore(%run_scoped3A : memref<!tpu.dma_semaphore, #tpu.memory_space<semaphore_mem>>)
        %dma_wait3A_415 = arith.constant 0 : i32
        %dma_wait3A_416 = tpu.memref_slice %arg2[%add3A_13, %dma_wait3A_415] : memref<1024x1024xi32, #tpu.memory_space<hbm>> -> memref<8x1024xi32, #tpu.memory_space<hbm>>
        %dma_wait3A_417 = arith.constant 0 : i32
        %dma_wait3A_418 = tpu.memref_slice %arg2[%add3A_13, %dma_wait3A_417] : memref<1024x1024xi32, #tpu.memory_space<hbm>> -> memref<8x1024xi32, #tpu.memory_space<hbm>>
        tpu.wait_dma2 semaphore(%run_scoped3A : memref<!tpu.dma_semaphore, #tpu.memory_space<semaphore_mem>>) src(%dma_wait3A_418 : memref<8x1024xi32, #tpu.memory_space<hbm>>) dst(%arg5 : memref<8x1024xi32, #tpu.memory_space<vmem>>)
        tpu.yield
      }) : () -> ()
      %scan3A_17 = arith.constant 0 : i32
      %scan3A_18 = arith.constant 0 : i32
      %scan3A_19 = arith.constant 512 : i32
      %scan3A_20 = arith.addi %scan3A_18, %scan3A_19 : i32
      %scan3A_21 = arith.constant 1 : i32
      scf.for %scan3A_411 = %scan3A_18 to %scan3A_20 step %scan3A_21  : i32 {
        %jit3A = arith.constant 64 : i32
        %div3A = arith.divsi %scan3A_411, %jit3A : i32
        %sign3A = arith.constant 0 : i32
        %sign3A_412 = arith.cmpi sgt, %scan3A_411, %sign3A : i32
        %sign3A_413 = arith.extui %sign3A_412 : i1 to i32
        %sign3A_414 = arith.constant 0 : i32
        %sign3A_415 = arith.cmpi slt, %scan3A_411, %sign3A_414 : i32
        %sign3A_416 = arith.extui %sign3A_415 : i1 to i32
        %sign3A_417 = arith.subi %sign3A_413, %sign3A_416 : i32
        %sign3A_418 = arith.constant 0 : i32
        %sign3A_419 = arith.cmpi sgt, %jit3A, %sign3A_418 : i32
        %sign3A_420 = arith.extui %sign3A_419 : i1 to i32
        %sign3A_421 = arith.constant 0 : i32
        %sign3A_422 = arith.cmpi slt, %jit3A, %sign3A_421 : i32
        %sign3A_423 = arith.extui %sign3A_422 : i1 to i32
        %sign3A_424 = arith.subi %sign3A_420, %sign3A_423 : i32
        %ne3A = arith.cmpi ne, %sign3A_417, %sign3A_424 : i32
        %rem3A = arith.remsi %scan3A_411, %jit3A : i32
        %ne3A_425 = arith.constant 0 : i32
        %ne3A_426 = arith.cmpi ne, %rem3A, %ne3A_425 : i32
        %and3A = arith.andi %ne3A, %ne3A_426 : i1
        %sub3A = arith.constant 1 : i32
        %sub3A_427 = arith.subi %div3A, %sub3A : i32
        %select_n3A = arith.select %and3A, %sub3A_427, %div3A : i32
        %jit3A_428 = arith.constant 64 : i32
        %eq3A = arith.constant 0 : i32
        %eq3A_429 = arith.cmpi eq, %jit3A_428, %eq3A : i32
        %jit3A_430 = arith.constant 1 : i32
        %select_n3A_431 = arith.select %eq3A_429, %jit3A_430, %jit3A_428 : i32
        %rem3A_432 = arith.remsi %scan3A_411, %select_n3A_431 : i32
        %ne3A_433 = arith.constant 0 : i32
        %ne3A_434 = arith.cmpi ne, %rem3A_432, %ne3A_433 : i32
        %lt3A = arith.constant 0 : i32
        %lt3A_435 = arith.cmpi slt, %rem3A_432, %lt3A : i32
        %lt3A_436 = arith.constant 0 : i32
        %lt3A_437 = arith.cmpi slt, %select_n3A_431, %lt3A_436 : i32
        %ne3A_438 = arith.xori %lt3A_435, %lt3A_437 : i1
        %and3A_439 = arith.andi %ne3A_438, %ne3A_434 : i1
        %add3A_440 = arith.addi %rem3A_432, %select_n3A_431 : i32
        %select_n3A_441 = arith.select %and3A_439, %add3A_440, %rem3A_432 : i32
        %mul3A_442 = arith.constant 16 : i32
        %mul3A_443 = arith.muli %select_n3A_441, %mul3A_442 : i32
        %multiple_of3A = tpu.assume_multiple %mul3A_443, 16 : i32
        %get3A = arith.index_cast %select_n3A : i32 to index
        %get3A_444 = arith.index_cast %multiple_of3A : i32 to index
        %get3A_445 = tpu.vector_load %arg5[%get3A, %get3A_444] {strides = array<i32>} : memref<8x1024xi32, #tpu.memory_space<vmem>>, vector<16xi32>,
        %mul3A_446 = arith.constant 16 : i32
        %mul3A_447 = vector.broadcast %mul3A_446 : i32 to vector<16xi32>
        %mul3A_448 = arith.muli %get3A_445, %mul3A_447 : vector<16xi32>
        %add3A_449 = arith.constant 0 : i32
        %add3A_450 = vector.broadcast %add3A_449 : i32 to vector<16xi32>
        %add3A_451 = arith.addi %mul3A_448, %add3A_450 : vector<16xi32>
        %gather3A = tpu.vector_load_idx %arg6[%add3A_451] : memref<512xf32, #tpu.memory_space<vmem>>[vector<16xi32>], vector<16xf32>,
        %add3A_452 = arith.constant 1 : i32
        %add3A_453 = vector.broadcast %add3A_452 : i32 to vector<16xi32>
        %add3A_454 = arith.addi %mul3A_448, %add3A_453 : vector<16xi32>
        %gather3A_455 = tpu.vector_load_idx %arg6[%add3A_454] : memref<512xf32, #tpu.memory_space<vmem>>[vector<16xi32>], vector<16xf32>,
        %add3A_456 = arith.constant 2 : i32
        %add3A_457 = vector.broadcast %add3A_456 : i32 to vector<16xi32>
        %add3A_458 = arith.addi %mul3A_448, %add3A_457 : vector<16xi32>
        %gather3A_459 = tpu.vector_load_idx %arg6[%add3A_458] : memref<512xf32, #tpu.memory_space<vmem>>[vector<16xi32>], vector<16xf32>,
        %add3A_460 = arith.constant 3 : i32
        %add3A_461 = vector.broadcast %add3A_460 : i32 to vector<16xi32>
        %add3A_462 = arith.addi %mul3A_448, %add3A_461 : vector<16xi32>
        %gather3A_463 = tpu.vector_load_idx %arg6[%add3A_462] : memref<512xf32, #tpu.memory_space<vmem>>[vector<16xi32>], vector<16xf32>,
        %add3A_464 = arith.constant 4 : i32
        %add3A_465 = vector.broadcast %add3A_464 : i32 to vector<16xi32>
        %add3A_466 = arith.addi %mul3A_448, %add3A_465 : vector<16xi32>
        %gather3A_467 = tpu.vector_load_idx %arg6[%add3A_466] : memref<512xf32, #tpu.memory_space<vmem>>[vector<16xi32>], vector<16xf32>,
        %add3A_468 = arith.constant 5 : i32
        %add3A_469 = vector.broadcast %add3A_468 : i32 to vector<16xi32>
        %add3A_470 = arith.addi %mul3A_448, %add3A_469 : vector<16xi32>
        %gather3A_471 = tpu.vector_load_idx %arg6[%add3A_470] : memref<512xf32, #tpu.memory_space<vmem>>[vector<16xi32>], vector<16xf32>,
        %add3A_472 = arith.constant 6 : i32
        %add3A_473 = vector.broadcast %add3A_472 : i32 to vector<16xi32>
        %add3A_474 = arith.addi %mul3A_448, %add3A_473 : vector<16xi32>
        %gather3A_475 = tpu.vector_load_idx %arg6[%add3A_474] : memref<512xf32, #tpu.memory_space<vmem>>[vector<16xi32>], vector<16xf32>,
        %add3A_476 = arith.constant 7 : i32
        %add3A_477 = vector.broadcast %add3A_476 : i32 to vector<16xi32>
        %add3A_478 = arith.addi %mul3A_448, %add3A_477 : vector<16xi32>
        %gather3A_479 = tpu.vector_load_idx %arg6[%add3A_478] : memref<512xf32, #tpu.memory_space<vmem>>[vector<16xi32>], vector<16xf32>,
        %mul3A_480 = arith.constant 16 : i32
        %mul3A_481 = arith.muli %scan3A_411, %mul3A_480 : i32
        %multiple_of3A_482 = tpu.assume_multiple %mul3A_481, 16 : i32
        %swap3A = arith.constant 0 : i32
        %swap3A_483 = arith.index_cast %swap3A : i32 to index
        %swap3A_484 = arith.index_cast %multiple_of3A_482 : i32 to index
        %swap3A_485 = tpu.vector_load %arg7[%swap3A_483, %swap3A_484] {strides = array<i32>} : memref<8x8192xf32, #tpu.memory_space<vmem>>, vector<16xf32>,
        tpu.vector_store %arg7[%swap3A_483, %swap3A_484], %gather3A {strides = array<i32>} : memref<8x8192xf32, #tpu.memory_space<vmem>>, vector<16xf32>,
        %swap3A_486 = arith.constant 1 : i32
        %swap3A_487 = arith.index_cast %swap3A_486 : i32 to index
        %swap3A_488 = arith.index_cast %multiple_of3A_482 : i32 to index
        %swap3A_489 = tpu.vector_load %arg7[%swap3A_487, %swap3A_488] {strides = array<i32>} : memref<8x8192xf32, #tpu.memory_space<vmem>>, vector<16xf32>,
        tpu.vector_store %arg7[%swap3A_487, %swap3A_488], %gather3A_455 {strides = array<i32>} : memref<8x8192xf32, #tpu.memory_space<vmem>>, vector<16xf32>,
        %swap3A_490 = arith.constant 2 : i32
        %swap3A_491 = arith.index_cast %swap3A_490 : i32 to index
        %swap3A_492 = arith.index_cast %multiple_of3A_482 : i32 to index
        %swap3A_493 = tpu.vector_load %arg7[%swap3A_491, %swap3A_492] {strides = array<i32>} : memref<8x8192xf32, #tpu.memory_space<vmem>>, vector<16xf32>,
        tpu.vector_store %arg7[%swap3A_491, %swap3A_492], %gather3A_459 {strides = array<i32>} : memref<8x8192xf32, #tpu.memory_space<vmem>>, vector<16xf32>,
        %swap3A_494 = arith.constant 3 : i32
        %swap3A_495 = arith.index_cast %swap3A_494 : i32 to index
        %swap3A_496 = arith.index_cast %multiple_of3A_482 : i32 to index
        %swap3A_497 = tpu.vector_load %arg7[%swap3A_495, %swap3A_496] {strides = array<i32>} : memref<8x8192xf32, #tpu.memory_space<vmem>>, vector<16xf32>,
        tpu.vector_store %arg7[%swap3A_495, %swap3A_496], %gather3A_463 {strides = array<i32>} : memref<8x8192xf32, #tpu.memory_space<vmem>>, vector<16xf32>,
        %swap3A_498 = arith.constant 4 : i32
        %swap3A_499 = arith.index_cast %swap3A_498 : i32 to index
        %swap3A_500 = arith.index_cast %multiple_of3A_482 : i32 to index
        %swap3A_501 = tpu.vector_load %arg7[%swap3A_499, %swap3A_500] {strides = array<i32>} : memref<8x8192xf32, #tpu.memory_space<vmem>>, vector<16xf32>,
        tpu.vector_store %arg7[%swap3A_499, %swap3A_500], %gather3A_467 {strides = array<i32>} : memref<8x8192xf32, #tpu.memory_space<vmem>>, vector<16xf32>,
        %swap3A_502 = arith.constant 5 : i32
        %swap3A_503 = arith.index_cast %swap3A_502 : i32 to index
        %swap3A_504 = arith.index_cast %multiple_of3A_482 : i32 to index
        %swap3A_505 = tpu.vector_load %arg7[%swap3A_503, %swap3A_504] {strides = array<i32>} : memref<8x8192xf32, #tpu.memory_space<vmem>>, vector<16xf32>,
        tpu.vector_store %arg7[%swap3A_503, %swap3A_504], %gather3A_471 {strides = array<i32>} : memref<8x8192xf32, #tpu.memory_space<vmem>>, vector<16xf32>,
        %swap3A_506 = arith.constant 6 : i32
        %swap3A_507 = arith.index_cast %swap3A_506 : i32 to index
        %swap3A_508 = arith.index_cast %multiple_of3A_482 : i32 to index
        %swap3A_509 = tpu.vector_load %arg7[%swap3A_507, %swap3A_508] {strides = array<i32>} : memref<8x8192xf32, #tpu.memory_space<vmem>>, vector<16xf32>,
        tpu.vector_store %arg7[%swap3A_507, %swap3A_508], %gather3A_475 {strides = array<i32>} : memref<8x8192xf32, #tpu.memory_space<vmem>>, vector<16xf32>,
        %swap3A_510 = arith.constant 7 : i32
        %swap3A_511 = arith.index_cast %swap3A_510 : i32 to index
        %swap3A_512 = arith.index_cast %multiple_of3A_482 : i32 to index
        %swap3A_513 = tpu.vector_load %arg7[%swap3A_511, %swap3A_512] {strides = array<i32>} : memref<8x8192xf32, #tpu.memory_space<vmem>>, vector<16xf32>,
        tpu.vector_store %arg7[%swap3A_511, %swap3A_512], %gather3A_479 {strides = array<i32>} : memref<8x8192xf32, #tpu.memory_space<vmem>>, vector<16xf32>,
      }
      %scan3A_22 = arith.constant 512 : i32
      %dma_start3A = arith.constant 0 : i32
      %dma_start3A_23 = arith.constant 0 : i32
      %dma_start3A_24 = arith.constant 0 : i32
      %dma_start3A_25 = tpu.memref_slice %arg7[%dma_start3A, %dma_start3A_24] : memref<8x8192xf32, #tpu.memory_space<vmem>> -> memref<1x8192xf32, #tpu.memory_space<vmem>>
      %dma_start3A_26 = tpu.memref_squeeze %dma_start3A_25 : memref<1x8192xf32, #tpu.memory_space<vmem>> -> memref<8192xf32, #tpu.memory_space<vmem>>
      %dma_start3A_27 = tpu.memref_slice %arg4[%dma_start3A_23, %add3A_16] : memref<16x1048576xf32, #tpu.memory_space<hbm>> -> memref<1x8192xf32, #tpu.memory_space<hbm>>
      %dma_start3A_28 = tpu.memref_squeeze %dma_start3A_27 : memref<1x8192xf32, #tpu.memory_space<hbm>> -> memref<8192xf32, #tpu.memory_space<hbm>>
      %dma_start3A_29 = tpu.memref_slice %arg4[%dma_start3A_23, %add3A_16] : memref<16x1048576xf32, #tpu.memory_space<hbm>> -> memref<1x8192xf32, #tpu.memory_space<hbm>>
      %dma_start3A_30 = tpu.memref_squeeze %dma_start3A_29 : memref<1x8192xf32, #tpu.memory_space<hbm>> -> memref<8192xf32, #tpu.memory_space<hbm>>
      %dma_start3A_31 = arith.constant 0 : i32
      %dma_start3A_32 = tpu.memref_slice %arg7[%dma_start3A, %dma_start3A_31] : memref<8x8192xf32, #tpu.memory_space<vmem>> -> memref<1x8192xf32, #tpu.memory_space<vmem>>
      %dma_start3A_33 = tpu.memref_squeeze %dma_start3A_32 : memref<1x8192xf32, #tpu.memory_space<vmem>> -> memref<8192xf32, #tpu.memory_space<vmem>>
      tpu.enqueue_dma source(%dma_start3A_33 : memref<8192xf32, #tpu.memory_space<vmem>>) target(%dma_start3A_30 : memref<8192xf32, #tpu.memory_space<hbm>>) target_semaphore(%arg8 : memref<!tpu.dma_semaphore, #tpu.memory_space<semaphore_mem>>)
      %dma_start3A_34 = arith.constant 1 : i32
      %dma_start3A_35 = arith.constant 1 : i32
      %dma_start3A_36 = arith.constant 0 : i32
      %dma_start3A_37 = tpu.memref_slice %arg7[%dma_start3A_34, %dma_start3A_36] : memref<8x8192xf32, #tpu.memory_space<vmem>> -> memref<1x8192xf32, #tpu.memory_space<vmem>>
      %dma_start3A_38 = tpu.memref_squeeze %dma_start3A_37 : memref<1x8192xf32, #tpu.memory_space<vmem>> -> memref<8192xf32, #tpu.memory_space<vmem>>
      %dma_start3A_39 = tpu.memref_slice %arg4[%dma_start3A_35, %add3A_16] : memref<16x1048576xf32, #tpu.memory_space<hbm>> -> memref<1x8192xf32, #tpu.memory_space<hbm>>
      %dma_start3A_40 = tpu.memref_squeeze %dma_start3A_39 : memref<1x8192xf32, #tpu.memory_space<hbm>> -> memref<8192xf32, #tpu.memory_space<hbm>>
      %dma_start3A_41 = tpu.memref_slice %arg4[%dma_start3A_35, %add3A_16] : memref<16x1048576xf32, #tpu.memory_space<hbm>> -> memref<1x8192xf32, #tpu.memory_space<hbm>>
      %dma_start3A_42 = tpu.memref_squeeze %dma_start3A_41 : memref<1x8192xf32, #tpu.memory_space<hbm>> -> memref<8192xf32, #tpu.memory_space<hbm>>
      %dma_start3A_43 = arith.constant 0 : i32
      %dma_start3A_44 = tpu.memref_slice %arg7[%dma_start3A_34, %dma_start3A_43] : memref<8x8192xf32, #tpu.memory_space<vmem>> -> memref<1x8192xf32, #tpu.memory_space<vmem>>
      %dma_start3A_45 = tpu.memref_squeeze %dma_start3A_44 : memref<1x8192xf32, #tpu.memory_space<vmem>> -> memref<8192xf32, #tpu.memory_space<vmem>>
      tpu.enqueue_dma source(%dma_start3A_45 : memref<8192xf32, #tpu.memory_space<vmem>>) target(%dma_start3A_42 : memref<8192xf32, #tpu.memory_space<hbm>>) target_semaphore(%arg8 : memref<!tpu.dma_semaphore, #tpu.memory_space<semaphore_mem>>)
      %dma_start3A_46 = arith.constant 2 : i32
      %dma_start3A_47 = arith.constant 2 : i32
      %dma_start3A_48 = arith.constant 0 : i32
      %dma_start3A_49 = tpu.memref_slice %arg7[%dma_start3A_46, %dma_start3A_48] : memref<8x8192xf32, #tpu.memory_space<vmem>> -> memref<1x8192xf32, #tpu.memory_space<vmem>>
      %dma_start3A_50 = tpu.memref_squeeze %dma_start3A_49 : memref<1x8192xf32, #tpu.memory_space<vmem>> -> memref<8192xf32, #tpu.memory_space<vmem>>
      %dma_start3A_51 = tpu.memref_slice %arg4[%dma_start3A_47, %add3A_16] : memref<16x1048576xf32, #tpu.memory_space<hbm>> -> memref<1x8192xf32, #tpu.memory_space<hbm>>
      %dma_start3A_52 = tpu.memref_squeeze %dma_start3A_51 : memref<1x8192xf32, #tpu.memory_space<hbm>> -> memref<8192xf32, #tpu.memory_space<hbm>>
      %dma_start3A_53 = tpu.memref_slice %arg4[%dma_start3A_47, %add3A_16] : memref<16x1048576xf32, #tpu.memory_space<hbm>> -> memref<1x8192xf32, #tpu.memory_space<hbm>>
      %dma_start3A_54 = tpu.memref_squeeze %dma_start3A_53 : memref<1x8192xf32, #tpu.memory_space<hbm>> -> memref<8192xf32, #tpu.memory_space<hbm>>
      %dma_start3A_55 = arith.constant 0 : i32
      %dma_start3A_56 = tpu.memref_slice %arg7[%dma_start3A_46, %dma_start3A_55] : memref<8x8192xf32, #tpu.memory_space<vmem>> -> memref<1x8192xf32, #tpu.memory_space<vmem>>
      %dma_start3A_57 = tpu.memref_squeeze %dma_start3A_56 : memref<1x8192xf32, #tpu.memory_space<vmem>> -> memref<8192xf32, #tpu.memory_space<vmem>>
      tpu.enqueue_dma source(%dma_start3A_57 : memref<8192xf32, #tpu.memory_space<vmem>>) target(%dma_start3A_54 : memref<8192xf32, #tpu.memory_space<hbm>>) target_semaphore(%arg8 : memref<!tpu.dma_semaphore, #tpu.memory_space<semaphore_mem>>)
      %dma_start3A_58 = arith.constant 3 : i32
      %dma_start3A_59 = arith.constant 3 : i32
      %dma_start3A_60 = arith.constant 0 : i32
      %dma_start3A_61 = tpu.memref_slice %arg7[%dma_start3A_58, %dma_start3A_60] : memref<8x8192xf32, #tpu.memory_space<vmem>> -> memref<1x8192xf32, #tpu.memory_space<vmem>>
      %dma_start3A_62 = tpu.memref_squeeze %dma_start3A_61 : memref<1x8192xf32, #tpu.memory_space<vmem>> -> memref<8192xf32, #tpu.memory_space<vmem>>
      %dma_start3A_63 = tpu.memref_slice %arg4[%dma_start3A_59, %add3A_16] : memref<16x1048576xf32, #tpu.memory_space<hbm>> -> memref<1x8192xf32, #tpu.memory_space<hbm>>
      %dma_start3A_64 = tpu.memref_squeeze %dma_start3A_63 : memref<1x8192xf32, #tpu.memory_space<hbm>> -> memref<8192xf32, #tpu.memory_space<hbm>>
      %dma_start3A_65 = tpu.memref_slice %arg4[%dma_start3A_59, %add3A_16] : memref<16x1048576xf32, #tpu.memory_space<hbm>> -> memref<1x8192xf32, #tpu.memory_space<hbm>>
      %dma_start3A_66 = tpu.memref_squeeze %dma_start3A_65 : memref<1x8192xf32, #tpu.memory_space<hbm>> -> memref<8192xf32, #tpu.memory_space<hbm>>
      %dma_start3A_67 = arith.constant 0 : i32
      %dma_start3A_68 = tpu.memref_slice %arg7[%dma_start3A_58, %dma_start3A_67] : memref<8x8192xf32, #tpu.memory_space<vmem>> -> memref<1x8192xf32, #tpu.memory_space<vmem>>
      %dma_start3A_69 = tpu.memref_squeeze %dma_start3A_68 : memref<1x8192xf32, #tpu.memory_space<vmem>> -> memref<8192xf32, #tpu.memory_space<vmem>>
      tpu.enqueue_dma source(%dma_start3A_69 : memref<8192xf32, #tpu.memory_space<vmem>>) target(%dma_start3A_66 : memref<8192xf32, #tpu.memory_space<hbm>>) target_semaphore(%arg8 : memref<!tpu.dma_semaphore, #tpu.memory_space<semaphore_mem>>)
      %dma_start3A_70 = arith.constant 4 : i32
      %dma_start3A_71 = arith.constant 4 : i32
      %dma_start3A_72 = arith.constant 0 : i32
      %dma_start3A_73 = tpu.memref_slice %arg7[%dma_start3A_70, %dma_start3A_72] : memref<8x8192xf32, #tpu.memory_space<vmem>> -> memref<1x8192xf32, #tpu.memory_space<vmem>>
      %dma_start3A_74 = tpu.memref_squeeze %dma_start3A_73 : memref<1x8192xf32, #tpu.memory_space<vmem>> -> memref<8192xf32, #tpu.memory_space<vmem>>
      %dma_start3A_75 = tpu.memref_slice %arg4[%dma_start3A_71, %add3A_16] : memref<16x1048576xf32, #tpu.memory_space<hbm>> -> memref<1x8192xf32, #tpu.memory_space<hbm>>
      %dma_start3A_76 = tpu.memref_squeeze %dma_start3A_75 : memref<1x8192xf32, #tpu.memory_space<hbm>> -> memref<8192xf32, #tpu.memory_space<hbm>>
      %dma_start3A_77 = tpu.memref_slice %arg4[%dma_start3A_71, %add3A_16] : memref<16x1048576xf32, #tpu.memory_space<hbm>> -> memref<1x8192xf32, #tpu.memory_space<hbm>>
      %dma_start3A_78 = tpu.memref_squeeze %dma_start3A_77 : memref<1x8192xf32, #tpu.memory_space<hbm>> -> memref<8192xf32, #tpu.memory_space<hbm>>
      %dma_start3A_79 = arith.constant 0 : i32
      %dma_start3A_80 = tpu.memref_slice %arg7[%dma_start3A_70, %dma_start3A_79] : memref<8x8192xf32, #tpu.memory_space<vmem>> -> memref<1x8192xf32, #tpu.memory_space<vmem>>
      %dma_start3A_81 = tpu.memref_squeeze %dma_start3A_80 : memref<1x8192xf32, #tpu.memory_space<vmem>> -> memref<8192xf32, #tpu.memory_space<vmem>>
      tpu.enqueue_dma source(%dma_start3A_81 : memref<8192xf32, #tpu.memory_space<vmem>>) target(%dma_start3A_78 : memref<8192xf32, #tpu.memory_space<hbm>>) target_semaphore(%arg8 : memref<!tpu.dma_semaphore, #tpu.memory_space<semaphore_mem>>)
      %dma_start3A_82 = arith.constant 5 : i32
      %dma_start3A_83 = arith.constant 5 : i32
      %dma_start3A_84 = arith.constant 0 : i32
      %dma_start3A_85 = tpu.memref_slice %arg7[%dma_start3A_82, %dma_start3A_84] : memref<8x8192xf32, #tpu.memory_space<vmem>> -> memref<1x8192xf32, #tpu.memory_space<vmem>>
      %dma_start3A_86 = tpu.memref_squeeze %dma_start3A_85 : memref<1x8192xf32, #tpu.memory_space<vmem>> -> memref<8192xf32, #tpu.memory_space<vmem>>
      %dma_start3A_87 = tpu.memref_slice %arg4[%dma_start3A_83, %add3A_16] : memref<16x1048576xf32, #tpu.memory_space<hbm>> -> memref<1x8192xf32, #tpu.memory_space<hbm>>
      %dma_start3A_88 = tpu.memref_squeeze %dma_start3A_87 : memref<1x8192xf32, #tpu.memory_space<hbm>> -> memref<8192xf32, #tpu.memory_space<hbm>>
      %dma_start3A_89 = tpu.memref_slice %arg4[%dma_start3A_83, %add3A_16] : memref<16x1048576xf32, #tpu.memory_space<hbm>> -> memref<1x8192xf32, #tpu.memory_space<hbm>>
      %dma_start3A_90 = tpu.memref_squeeze %dma_start3A_89 : memref<1x8192xf32, #tpu.memory_space<hbm>> -> memref<8192xf32, #tpu.memory_space<hbm>>
      %dma_start3A_91 = arith.constant 0 : i32
      %dma_start3A_92 = tpu.memref_slice %arg7[%dma_start3A_82, %dma_start3A_91] : memref<8x8192xf32, #tpu.memory_space<vmem>> -> memref<1x8192xf32, #tpu.memory_space<vmem>>
      %dma_start3A_93 = tpu.memref_squeeze %dma_start3A_92 : memref<1x8192xf32, #tpu.memory_space<vmem>> -> memref<8192xf32, #tpu.memory_space<vmem>>
      tpu.enqueue_dma source(%dma_start3A_93 : memref<8192xf32, #tpu.memory_space<vmem>>) target(%dma_start3A_90 : memref<8192xf32, #tpu.memory_space<hbm>>) target_semaphore(%arg8 : memref<!tpu.dma_semaphore, #tpu.memory_space<semaphore_mem>>)
      %dma_start3A_94 = arith.constant 6 : i32
      %dma_start3A_95 = arith.constant 6 : i32
      %dma_start3A_96 = arith.constant 0 : i32
      %dma_start3A_97 = tpu.memref_slice %arg7[%dma_start3A_94, %dma_start3A_96] : memref<8x8192xf32, #tpu.memory_space<vmem>> -> memref<1x8192xf32, #tpu.memory_space<vmem>>
      %dma_start3A_98 = tpu.memref_squeeze %dma_start3A_97 : memref<1x8192xf32, #tpu.memory_space<vmem>> -> memref<8192xf32, #tpu.memory_space<vmem>>
      %dma_start3A_99 = tpu.memref_slice %arg4[%dma_start3A_95, %add3A_16] : memref<16x1048576xf32, #tpu.memory_space<hbm>> -> memref<1x8192xf32, #tpu.memory_space<hbm>>
      %dma_start3A_100 = tpu.memref_squeeze %dma_start3A_99 : memref<1x8192xf32, #tpu.memory_space<hbm>> -> memref<8192xf32, #tpu.memory_space<hbm>>
      %dma_start3A_101 = tpu.memref_slice %arg4[%dma_start3A_95, %add3A_16] : memref<16x1048576xf32, #tpu.memory_space<hbm>> -> memref<1x8192xf32, #tpu.memory_space<hbm>>
      %dma_start3A_102 = tpu.memref_squeeze %dma_start3A_101 : memref<1x8192xf32, #tpu.memory_space<hbm>> -> memref<8192xf32, #tpu.memory_space<hbm>>
      %dma_start3A_103 = arith.constant 0 : i32
      %dma_start3A_104 = tpu.memref_slice %arg7[%dma_start3A_94, %dma_start3A_103] : memref<8x8192xf32, #tpu.memory_space<vmem>> -> memref<1x8192xf32, #tpu.memory_space<vmem>>
      %dma_start3A_105 = tpu.memref_squeeze %dma_start3A_104 : memref<1x8192xf32, #tpu.memory_space<vmem>> -> memref<8192xf32, #tpu.memory_space<vmem>>
      tpu.enqueue_dma source(%dma_start3A_105 : memref<8192xf32, #tpu.memory_space<vmem>>) target(%dma_start3A_102 : memref<8192xf32, #tpu.memory_space<hbm>>) target_semaphore(%arg8 : memref<!tpu.dma_semaphore, #tpu.memory_space<semaphore_mem>>)
      %dma_start3A_106 = arith.constant 7 : i32
      %dma_start3A_107 = arith.constant 7 : i32
      %dma_start3A_108 = arith.constant 0 : i32
      %dma_start3A_109 = tpu.memref_slice %arg7[%dma_start3A_106, %dma_start3A_108] : memref<8x8192xf32, #tpu.memory_space<vmem>> -> memref<1x8192xf32, #tpu.memory_space<vmem>>
      %dma_start3A_110 = tpu.memref_squeeze %dma_start3A_109 : memref<1x8192xf32, #tpu.memory_space<vmem>> -> memref<8192xf32, #tpu.memory_space<vmem>>
      %dma_start3A_111 = tpu.memref_slice %arg4[%dma_start3A_107, %add3A_16] : memref<16x1048576xf32, #tpu.memory_space<hbm>> -> memref<1x8192xf32, #tpu.memory_space<hbm>>
      %dma_start3A_112 = tpu.memref_squeeze %dma_start3A_111 : memref<1x8192xf32, #tpu.memory_space<hbm>> -> memref<8192xf32, #tpu.memory_space<hbm>>
      %dma_start3A_113 = tpu.memref_slice %arg4[%dma_start3A_107, %add3A_16] : memref<16x1048576xf32, #tpu.memory_space<hbm>> -> memref<1x8192xf32, #tpu.memory_space<hbm>>
      %dma_start3A_114 = tpu.memref_squeeze %dma_start3A_113 : memref<1x8192xf32, #tpu.memory_space<hbm>> -> memref<8192xf32, #tpu.memory_space<hbm>>
      %dma_start3A_115 = arith.constant 0 : i32
      %dma_start3A_116 = tpu.memref_slice %arg7[%dma_start3A_106, %dma_start3A_115] : memref<8x8192xf32, #tpu.memory_space<vmem>> -> memref<1x8192xf32, #tpu.memory_space<vmem>>
      %dma_start3A_117 = tpu.memref_squeeze %dma_start3A_116 : memref<1x8192xf32, #tpu.memory_space<vmem>> -> memref<8192xf32, #tpu.memory_space<vmem>>
      tpu.enqueue_dma source(%dma_start3A_117 : memref<8192xf32, #tpu.memory_space<vmem>>) target(%dma_start3A_114 : memref<8192xf32, #tpu.memory_space<hbm>>) target_semaphore(%arg8 : memref<!tpu.dma_semaphore, #tpu.memory_space<semaphore_mem>>)
      %dma_wait3A = arith.constant 0 : i32
      %dma_wait3A_118 = arith.constant 0 : i32
      %dma_wait3A_119 = arith.constant 0 : i32
      %dma_wait3A_120 = tpu.memref_slice %arg7[%dma_wait3A, %dma_wait3A_119] : memref<8x8192xf32, #tpu.memory_space<vmem>> -> memref<1x8192xf32, #tpu.memory_space<vmem>>
      %dma_wait3A_121 = tpu.memref_squeeze %dma_wait3A_120 : memref<1x8192xf32, #tpu.memory_space<vmem>> -> memref<8192xf32, #tpu.memory_space<vmem>>
      %dma_wait3A_122 = tpu.memref_slice %arg4[%dma_wait3A_118, %add3A_16] : memref<16x1048576xf32, #tpu.memory_space<hbm>> -> memref<1x8192xf32, #tpu.memory_space<hbm>>
      %dma_wait3A_123 = tpu.memref_squeeze %dma_wait3A_122 : memref<1x8192xf32, #tpu.memory_space<hbm>> -> memref<8192xf32, #tpu.memory_space<hbm>>
      %dma_wait3A_124 = tpu.memref_slice %arg4[%dma_wait3A_118, %add3A_16] : memref<16x1048576xf32, #tpu.memory_space<hbm>> -> memref<1x8192xf32, #tpu.memory_space<hbm>>
      %dma_wait3A_125 = tpu.memref_squeeze %dma_wait3A_124 : memref<1x8192xf32, #tpu.memory_space<hbm>> -> memref<8192xf32, #tpu.memory_space<hbm>>
      %dma_wait3A_126 = arith.constant 0 : i32
      %dma_wait3A_127 = tpu.memref_slice %arg7[%dma_wait3A, %dma_wait3A_126] : memref<8x8192xf32, #tpu.memory_space<vmem>> -> memref<1x8192xf32, #tpu.memory_space<vmem>>
      %dma_wait3A_128 = tpu.memref_squeeze %dma_wait3A_127 : memref<1x8192xf32, #tpu.memory_space<vmem>> -> memref<8192xf32, #tpu.memory_space<vmem>>
      tpu.wait_dma2 semaphore(%arg8 : memref<!tpu.dma_semaphore, #tpu.memory_space<semaphore_mem>>) src(%dma_wait3A_128 : memref<8192xf32, #tpu.memory_space<vmem>>) dst(%dma_wait3A_125 : memref<8192xf32, #tpu.memory_space<hbm>>)
      %dma_wait3A_129 = arith.constant 1 : i32
      %dma_wait3A_130 = arith.constant 1 : i32
      %dma_wait3A_131 = arith.constant 0 : i32
      %dma_wait3A_132 = tpu.memref_slice %arg7[%dma_wait3A_129, %dma_wait3A_131] : memref<8x8192xf32, #tpu.memory_space<vmem>> -> memref<1x8192xf32, #tpu.memory_space<vmem>>
      %dma_wait3A_133 = tpu.memref_squeeze %dma_wait3A_132 : memref<1x8192xf32, #tpu.memory_space<vmem>> -> memref<8192xf32, #tpu.memory_space<vmem>>
      %dma_wait3A_134 = tpu.memref_slice %arg4[%dma_wait3A_130, %add3A_16] : memref<16x1048576xf32, #tpu.memory_space<hbm>> -> memref<1x8192xf32, #tpu.memory_space<hbm>>
      %dma_wait3A_135 = tpu.memref_squeeze %dma_wait3A_134 : memref<1x8192xf32, #tpu.memory_space<hbm>> -> memref<8192xf32, #tpu.memory_space<hbm>>
      %dma_wait3A_136 = tpu.memref_slice %arg4[%dma_wait3A_130, %add3A_16] : memref<16x1048576xf32, #tpu.memory_space<hbm>> -> memref<1x8192xf32, #tpu.memory_space<hbm>>
      %dma_wait3A_137 = tpu.memref_squeeze %dma_wait3A_136 : memref<1x8192xf32, #tpu.memory_space<hbm>> -> memref<8192xf32, #tpu.memory_space<hbm>>
      %dma_wait3A_138 = arith.constant 0 : i32
      %dma_wait3A_139 = tpu.memref_slice %arg7[%dma_wait3A_129, %dma_wait3A_138] : memref<8x8192xf32, #tpu.memory_space<vmem>> -> memref<1x8192xf32, #tpu.memory_space<vmem>>
      %dma_wait3A_140 = tpu.memref_squeeze %dma_wait3A_139 : memref<1x8192xf32, #tpu.memory_space<vmem>> -> memref<8192xf32, #tpu.memory_space<vmem>>
      tpu.wait_dma2 semaphore(%arg8 : memref<!tpu.dma_semaphore, #tpu.memory_space<semaphore_mem>>) src(%dma_wait3A_140 : memref<8192xf32, #tpu.memory_space<vmem>>) dst(%dma_wait3A_137 : memref<8192xf32, #tpu.memory_space<hbm>>)
      %dma_wait3A_141 = arith.constant 2 : i32
      %dma_wait3A_142 = arith.constant 2 : i32
      %dma_wait3A_143 = arith.constant 0 : i32
      %dma_wait3A_144 = tpu.memref_slice %arg7[%dma_wait3A_141, %dma_wait3A_143] : memref<8x8192xf32, #tpu.memory_space<vmem>> -> memref<1x8192xf32, #tpu.memory_space<vmem>>
      %dma_wait3A_145 = tpu.memref_squeeze %dma_wait3A_144 : memref<1x8192xf32, #tpu.memory_space<vmem>> -> memref<8192xf32, #tpu.memory_space<vmem>>
      %dma_wait3A_146 = tpu.memref_slice %arg4[%dma_wait3A_142, %add3A_16] : memref<16x1048576xf32, #tpu.memory_space<hbm>> -> memref<1x8192xf32, #tpu.memory_space<hbm>>
      %dma_wait3A_147 = tpu.memref_squeeze %dma_wait3A_146 : memref<1x8192xf32, #tpu.memory_space<hbm>> -> memref<8192xf32, #tpu.memory_space<hbm>>
      %dma_wait3A_148 = tpu.memref_slice %arg4[%dma_wait3A_142, %add3A_16] : memref<16x1048576xf32, #tpu.memory_space<hbm>> -> memref<1x8192xf32, #tpu.memory_space<hbm>>
      %dma_wait3A_149 = tpu.memref_squeeze %dma_wait3A_148 : memref<1x8192xf32, #tpu.memory_space<hbm>> -> memref<8192xf32, #tpu.memory_space<hbm>>
      %dma_wait3A_150 = arith.constant 0 : i32
      %dma_wait3A_151 = tpu.memref_slice %arg7[%dma_wait3A_141, %dma_wait3A_150] : memref<8x8192xf32, #tpu.memory_space<vmem>> -> memref<1x8192xf32, #tpu.memory_space<vmem>>
      %dma_wait3A_152 = tpu.memref_squeeze %dma_wait3A_151 : memref<1x8192xf32, #tpu.memory_space<vmem>> -> memref<8192xf32, #tpu.memory_space<vmem>>
      tpu.wait_dma2 semaphore(%arg8 : memref<!tpu.dma_semaphore, #tpu.memory_space<semaphore_mem>>) src(%dma_wait3A_152 : memref<8192xf32, #tpu.memory_space<vmem>>) dst(%dma_wait3A_149 : memref<8192xf32, #tpu.memory_space<hbm>>)
      %dma_wait3A_153 = arith.constant 3 : i32
      %dma_wait3A_154 = arith.constant 3 : i32
      %dma_wait3A_155 = arith.constant 0 : i32
      %dma_wait3A_156 = tpu.memref_slice %arg7[%dma_wait3A_153, %dma_wait3A_155] : memref<8x8192xf32, #tpu.memory_space<vmem>> -> memref<1x8192xf32, #tpu.memory_space<vmem>>
      %dma_wait3A_157 = tpu.memref_squeeze %dma_wait3A_156 : memref<1x8192xf32, #tpu.memory_space<vmem>> -> memref<8192xf32, #tpu.memory_space<vmem>>
      %dma_wait3A_158 = tpu.memref_slice %arg4[%dma_wait3A_154, %add3A_16] : memref<16x1048576xf32, #tpu.memory_space<hbm>> -> memref<1x8192xf32, #tpu.memory_space<hbm>>
      %dma_wait3A_159 = tpu.memref_squeeze %dma_wait3A_158 : memref<1x8192xf32, #tpu.memory_space<hbm>> -> memref<8192xf32, #tpu.memory_space<hbm>>
      %dma_wait3A_160 = tpu.memref_slice %arg4[%dma_wait3A_154, %add3A_16] : memref<16x1048576xf32, #tpu.memory_space<hbm>> -> memref<1x8192xf32, #tpu.memory_space<hbm>>
      %dma_wait3A_161 = tpu.memref_squeeze %dma_wait3A_160 : memref<1x8192xf32, #tpu.memory_space<hbm>> -> memref<8192xf32, #tpu.memory_space<hbm>>
      %dma_wait3A_162 = arith.constant 0 : i32
      %dma_wait3A_163 = tpu.memref_slice %arg7[%dma_wait3A_153, %dma_wait3A_162] : memref<8x8192xf32, #tpu.memory_space<vmem>> -> memref<1x8192xf32, #tpu.memory_space<vmem>>
      %dma_wait3A_164 = tpu.memref_squeeze %dma_wait3A_163 : memref<1x8192xf32, #tpu.memory_space<vmem>> -> memref<8192xf32, #tpu.memory_space<vmem>>
      tpu.wait_dma2 semaphore(%arg8 : memref<!tpu.dma_semaphore, #tpu.memory_space<semaphore_mem>>) src(%dma_wait3A_164 : memref<8192xf32, #tpu.memory_space<vmem>>) dst(%dma_wait3A_161 : memref<8192xf32, #tpu.memory_space<hbm>>)
      %dma_wait3A_165 = arith.constant 4 : i32
      %dma_wait3A_166 = arith.constant 4 : i32
      %dma_wait3A_167 = arith.constant 0 : i32
      %dma_wait3A_168 = tpu.memref_slice %arg7[%dma_wait3A_165, %dma_wait3A_167] : memref<8x8192xf32, #tpu.memory_space<vmem>> -> memref<1x8192xf32, #tpu.memory_space<vmem>>
      %dma_wait3A_169 = tpu.memref_squeeze %dma_wait3A_168 : memref<1x8192xf32, #tpu.memory_space<vmem>> -> memref<8192xf32, #tpu.memory_space<vmem>>
      %dma_wait3A_170 = tpu.memref_slice %arg4[%dma_wait3A_166, %add3A_16] : memref<16x1048576xf32, #tpu.memory_space<hbm>> -> memref<1x8192xf32, #tpu.memory_space<hbm>>
      %dma_wait3A_171 = tpu.memref_squeeze %dma_wait3A_170 : memref<1x8192xf32, #tpu.memory_space<hbm>> -> memref<8192xf32, #tpu.memory_space<hbm>>
      %dma_wait3A_172 = tpu.memref_slice %arg4[%dma_wait3A_166, %add3A_16] : memref<16x1048576xf32, #tpu.memory_space<hbm>> -> memref<1x8192xf32, #tpu.memory_space<hbm>>
      %dma_wait3A_173 = tpu.memref_squeeze %dma_wait3A_172 : memref<1x8192xf32, #tpu.memory_space<hbm>> -> memref<8192xf32, #tpu.memory_space<hbm>>
      %dma_wait3A_174 = arith.constant 0 : i32
      %dma_wait3A_175 = tpu.memref_slice %arg7[%dma_wait3A_165, %dma_wait3A_174] : memref<8x8192xf32, #tpu.memory_space<vmem>> -> memref<1x8192xf32, #tpu.memory_space<vmem>>
      %dma_wait3A_176 = tpu.memref_squeeze %dma_wait3A_175 : memref<1x8192xf32, #tpu.memory_space<vmem>> -> memref<8192xf32, #tpu.memory_space<vmem>>
      tpu.wait_dma2 semaphore(%arg8 : memref<!tpu.dma_semaphore, #tpu.memory_space<semaphore_mem>>) src(%dma_wait3A_176 : memref<8192xf32, #tpu.memory_space<vmem>>) dst(%dma_wait3A_173 : memref<8192xf32, #tpu.memory_space<hbm>>)
      %dma_wait3A_177 = arith.constant 5 : i32
      %dma_wait3A_178 = arith.constant 5 : i32
      %dma_wait3A_179 = arith.constant 0 : i32
      %dma_wait3A_180 = tpu.memref_slice %arg7[%dma_wait3A_177, %dma_wait3A_179] : memref<8x8192xf32, #tpu.memory_space<vmem>> -> memref<1x8192xf32, #tpu.memory_space<vmem>>
      %dma_wait3A_181 = tpu.memref_squeeze %dma_wait3A_180 : memref<1x8192xf32, #tpu.memory_space<vmem>> -> memref<8192xf32, #tpu.memory_space<vmem>>
      %dma_wait3A_182 = tpu.memref_slice %arg4[%dma_wait3A_178, %add3A_16] : memref<16x1048576xf32, #tpu.memory_space<hbm>> -> memref<1x8192xf32, #tpu.memory_space<hbm>>
      %dma_wait3A_183 = tpu.memref_squeeze %dma_wait3A_182 : memref<1x8192xf32, #tpu.memory_space<hbm>> -> memref<8192xf32, #tpu.memory_space<hbm>>
      %dma_wait3A_184 = tpu.memref_slice %arg4[%dma_wait3A_178, %add3A_16] : memref<16x1048576xf32, #tpu.memory_space<hbm>> -> memref<1x8192xf32, #tpu.memory_space<hbm>>
      %dma_wait3A_185 = tpu.memref_squeeze %dma_wait3A_184 : memref<1x8192xf32, #tpu.memory_space<hbm>> -> memref<8192xf32, #tpu.memory_space<hbm>>
      %dma_wait3A_186 = arith.constant 0 : i32
      %dma_wait3A_187 = tpu.memref_slice %arg7[%dma_wait3A_177, %dma_wait3A_186] : memref<8x8192xf32, #tpu.memory_space<vmem>> -> memref<1x8192xf32, #tpu.memory_space<vmem>>
      %dma_wait3A_188 = tpu.memref_squeeze %dma_wait3A_187 : memref<1x8192xf32, #tpu.memory_space<vmem>> -> memref<8192xf32, #tpu.memory_space<vmem>>
      tpu.wait_dma2 semaphore(%arg8 : memref<!tpu.dma_semaphore, #tpu.memory_space<semaphore_mem>>) src(%dma_wait3A_188 : memref<8192xf32, #tpu.memory_space<vmem>>) dst(%dma_wait3A_185 : memref<8192xf32, #tpu.memory_space<hbm>>)
      %dma_wait3A_189 = arith.constant 6 : i32
      %dma_wait3A_190 = arith.constant 6 : i32
      %dma_wait3A_191 = arith.constant 0 : i32
      %dma_wait3A_192 = tpu.memref_slice %arg7[%dma_wait3A_189, %dma_wait3A_191] : memref<8x8192xf32, #tpu.memory_space<vmem>> -> memref<1x8192xf32, #tpu.memory_space<vmem>>
      %dma_wait3A_193 = tpu.memref_squeeze %dma_wait3A_192 : memref<1x8192xf32, #tpu.memory_space<vmem>> -> memref<8192xf32, #tpu.memory_space<vmem>>
      %dma_wait3A_194 = tpu.memref_slice %arg4[%dma_wait3A_190, %add3A_16] : memref<16x1048576xf32, #tpu.memory_space<hbm>> -> memref<1x8192xf32, #tpu.memory_space<hbm>>
      %dma_wait3A_195 = tpu.memref_squeeze %dma_wait3A_194 : memref<1x8192xf32, #tpu.memory_space<hbm>> -> memref<8192xf32, #tpu.memory_space<hbm>>
      %dma_wait3A_196 = tpu.memref_slice %arg4[%dma_wait3A_190, %add3A_16] : memref<16x1048576xf32, #tpu.memory_space<hbm>> -> memref<1x8192xf32, #tpu.memory_space<hbm>>
      %dma_wait3A_197 = tpu.memref_squeeze %dma_wait3A_196 : memref<1x8192xf32, #tpu.memory_space<hbm>> -> memref<8192xf32, #tpu.memory_space<hbm>>
      %dma_wait3A_198 = arith.constant 0 : i32
      %dma_wait3A_199 = tpu.memref_slice %arg7[%dma_wait3A_189, %dma_wait3A_198] : memref<8x8192xf32, #tpu.memory_space<vmem>> -> memref<1x8192xf32, #tpu.memory_space<vmem>>
      %dma_wait3A_200 = tpu.memref_squeeze %dma_wait3A_199 : memref<1x8192xf32, #tpu.memory_space<vmem>> -> memref<8192xf32, #tpu.memory_space<vmem>>
      tpu.wait_dma2 semaphore(%arg8 : memref<!tpu.dma_semaphore, #tpu.memory_space<semaphore_mem>>) src(%dma_wait3A_200 : memref<8192xf32, #tpu.memory_space<vmem>>) dst(%dma_wait3A_197 : memref<8192xf32, #tpu.memory_space<hbm>>)
      %dma_wait3A_201 = arith.constant 7 : i32
      %dma_wait3A_202 = arith.constant 7 : i32
      %dma_wait3A_203 = arith.constant 0 : i32
      %dma_wait3A_204 = tpu.memref_slice %arg7[%dma_wait3A_201, %dma_wait3A_203] : memref<8x8192xf32, #tpu.memory_space<vmem>> -> memref<1x8192xf32, #tpu.memory_space<vmem>>
      %dma_wait3A_205 = tpu.memref_squeeze %dma_wait3A_204 : memref<1x8192xf32, #tpu.memory_space<vmem>> -> memref<8192xf32, #tpu.memory_space<vmem>>
      %dma_wait3A_206 = tpu.memref_slice %arg4[%dma_wait3A_202, %add3A_16] : memref<16x1048576xf32, #tpu.memory_space<hbm>> -> memref<1x8192xf32, #tpu.memory_space<hbm>>
      %dma_wait3A_207 = tpu.memref_squeeze %dma_wait3A_206 : memref<1x8192xf32, #tpu.memory_space<hbm>> -> memref<8192xf32, #tpu.memory_space<hbm>>
      %dma_wait3A_208 = tpu.memref_slice %arg4[%dma_wait3A_202, %add3A_16] : memref<16x1048576xf32, #tpu.memory_space<hbm>> -> memref<1x8192xf32, #tpu.memory_space<hbm>>
      %dma_wait3A_209 = tpu.memref_squeeze %dma_wait3A_208 : memref<1x8192xf32, #tpu.memory_space<hbm>> -> memref<8192xf32, #tpu.memory_space<hbm>>
      %dma_wait3A_210 = arith.constant 0 : i32
      %dma_wait3A_211 = tpu.memref_slice %arg7[%dma_wait3A_201, %dma_wait3A_210] : memref<8x8192xf32, #tpu.memory_space<vmem>> -> memref<1x8192xf32, #tpu.memory_space<vmem>>
      %dma_wait3A_212 = tpu.memref_squeeze %dma_wait3A_211 : memref<1x8192xf32, #tpu.memory_space<vmem>> -> memref<8192xf32, #tpu.memory_space<vmem>>
      tpu.wait_dma2 semaphore(%arg8 : memref<!tpu.dma_semaphore, #tpu.memory_space<semaphore_mem>>) src(%dma_wait3A_212 : memref<8192xf32, #tpu.memory_space<vmem>>) dst(%dma_wait3A_209 : memref<8192xf32, #tpu.memory_space<hbm>>)
      %scan3A_213 = arith.constant 0 : i32
      %scan3A_214 = arith.constant 0 : i32
      %scan3A_215 = arith.constant 512 : i32
      %scan3A_216 = arith.addi %scan3A_214, %scan3A_215 : i32
      %scan3A_217 = arith.constant 1 : i32
      scf.for %scan3A_411 = %scan3A_214 to %scan3A_216 step %scan3A_217  : i32 {
        %jit3A = arith.constant 64 : i32
        %div3A = arith.divsi %scan3A_411, %jit3A : i32
        %sign3A = arith.constant 0 : i32
        %sign3A_412 = arith.cmpi sgt, %scan3A_411, %sign3A : i32
        %sign3A_413 = arith.extui %sign3A_412 : i1 to i32
        %sign3A_414 = arith.constant 0 : i32
        %sign3A_415 = arith.cmpi slt, %scan3A_411, %sign3A_414 : i32
        %sign3A_416 = arith.extui %sign3A_415 : i1 to i32
        %sign3A_417 = arith.subi %sign3A_413, %sign3A_416 : i32
        %sign3A_418 = arith.constant 0 : i32
        %sign3A_419 = arith.cmpi sgt, %jit3A, %sign3A_418 : i32
        %sign3A_420 = arith.extui %sign3A_419 : i1 to i32
        %sign3A_421 = arith.constant 0 : i32
        %sign3A_422 = arith.cmpi slt, %jit3A, %sign3A_421 : i32
        %sign3A_423 = arith.extui %sign3A_422 : i1 to i32
        %sign3A_424 = arith.subi %sign3A_420, %sign3A_423 : i32
        %ne3A = arith.cmpi ne, %sign3A_417, %sign3A_424 : i32
        %rem3A = arith.remsi %scan3A_411, %jit3A : i32
        %ne3A_425 = arith.constant 0 : i32
        %ne3A_426 = arith.cmpi ne, %rem3A, %ne3A_425 : i32
        %and3A = arith.andi %ne3A, %ne3A_426 : i1
        %sub3A = arith.constant 1 : i32
        %sub3A_427 = arith.subi %div3A, %sub3A : i32
        %select_n3A = arith.select %and3A, %sub3A_427, %div3A : i32
        %jit3A_428 = arith.constant 64 : i32
        %eq3A = arith.constant 0 : i32
        %eq3A_429 = arith.cmpi eq, %jit3A_428, %eq3A : i32
        %jit3A_430 = arith.constant 1 : i32
        %select_n3A_431 = arith.select %eq3A_429, %jit3A_430, %jit3A_428 : i32
        %rem3A_432 = arith.remsi %scan3A_411, %select_n3A_431 : i32
        %ne3A_433 = arith.constant 0 : i32
        %ne3A_434 = arith.cmpi ne, %rem3A_432, %ne3A_433 : i32
        %lt3A = arith.constant 0 : i32
        %lt3A_435 = arith.cmpi slt, %rem3A_432, %lt3A : i32
        %lt3A_436 = arith.constant 0 : i32
        %lt3A_437 = arith.cmpi slt, %select_n3A_431, %lt3A_436 : i32
        %ne3A_438 = arith.xori %lt3A_435, %lt3A_437 : i1
        %and3A_439 = arith.andi %ne3A_438, %ne3A_434 : i1
        %add3A_440 = arith.addi %rem3A_432, %select_n3A_431 : i32
        %select_n3A_441 = arith.select %and3A_439, %add3A_440, %rem3A_432 : i32
        %mul3A_442 = arith.constant 16 : i32
        %mul3A_443 = arith.muli %select_n3A_441, %mul3A_442 : i32
        %multiple_of3A = tpu.assume_multiple %mul3A_443, 16 : i32
        %get3A = arith.index_cast %select_n3A : i32 to index
        %get3A_444 = arith.index_cast %multiple_of3A : i32 to index
        %get3A_445 = tpu.vector_load %arg5[%get3A, %get3A_444] {strides = array<i32>} : memref<8x1024xi32, #tpu.memory_space<vmem>>, vector<16xi32>,
        %mul3A_446 = arith.constant 16 : i32
        %mul3A_447 = vector.broadcast %mul3A_446 : i32 to vector<16xi32>
        %mul3A_448 = arith.muli %get3A_445, %mul3A_447 : vector<16xi32>
        %add3A_449 = arith.constant 8 : i32
        %add3A_450 = vector.broadcast %add3A_449 : i32 to vector<16xi32>
        %add3A_451 = arith.addi %mul3A_448, %add3A_450 : vector<16xi32>
        %gather3A = tpu.vector_load_idx %arg6[%add3A_451] : memref<512xf32, #tpu.memory_space<vmem>>[vector<16xi32>], vector<16xf32>,
        %add3A_452 = arith.constant 9 : i32
        %add3A_453 = vector.broadcast %add3A_452 : i32 to vector<16xi32>
        %add3A_454 = arith.addi %mul3A_448, %add3A_453 : vector<16xi32>
        %gather3A_455 = tpu.vector_load_idx %arg6[%add3A_454] : memref<512xf32, #tpu.memory_space<vmem>>[vector<16xi32>], vector<16xf32>,
        %add3A_456 = arith.constant 10 : i32
        %add3A_457 = vector.broadcast %add3A_456 : i32 to vector<16xi32>
        %add3A_458 = arith.addi %mul3A_448, %add3A_457 : vector<16xi32>
        %gather3A_459 = tpu.vector_load_idx %arg6[%add3A_458] : memref<512xf32, #tpu.memory_space<vmem>>[vector<16xi32>], vector<16xf32>,
        %add3A_460 = arith.constant 11 : i32
        %add3A_461 = vector.broadcast %add3A_460 : i32 to vector<16xi32>
        %add3A_462 = arith.addi %mul3A_448, %add3A_461 : vector<16xi32>
        %gather3A_463 = tpu.vector_load_idx %arg6[%add3A_462] : memref<512xf32, #tpu.memory_space<vmem>>[vector<16xi32>], vector<16xf32>,
        %add3A_464 = arith.constant 12 : i32
        %add3A_465 = vector.broadcast %add3A_464 : i32 to vector<16xi32>
        %add3A_466 = arith.addi %mul3A_448, %add3A_465 : vector<16xi32>
        %gather3A_467 = tpu.vector_load_idx %arg6[%add3A_466] : memref<512xf32, #tpu.memory_space<vmem>>[vector<16xi32>], vector<16xf32>,
        %add3A_468 = arith.constant 13 : i32
        %add3A_469 = vector.broadcast %add3A_468 : i32 to vector<16xi32>
        %add3A_470 = arith.addi %mul3A_448, %add3A_469 : vector<16xi32>
        %gather3A_471 = tpu.vector_load_idx %arg6[%add3A_470] : memref<512xf32, #tpu.memory_space<vmem>>[vector<16xi32>], vector<16xf32>,
        %add3A_472 = arith.constant 14 : i32
        %add3A_473 = vector.broadcast %add3A_472 : i32 to vector<16xi32>
        %add3A_474 = arith.addi %mul3A_448, %add3A_473 : vector<16xi32>
        %gather3A_475 = tpu.vector_load_idx %arg6[%add3A_474] : memref<512xf32, #tpu.memory_space<vmem>>[vector<16xi32>], vector<16xf32>,
        %add3A_476 = arith.constant 15 : i32
        %add3A_477 = vector.broadcast %add3A_476 : i32 to vector<16xi32>
        %add3A_478 = arith.addi %mul3A_448, %add3A_477 : vector<16xi32>
        %gather3A_479 = tpu.vector_load_idx %arg6[%add3A_478] : memref<512xf32, #tpu.memory_space<vmem>>[vector<16xi32>], vector<16xf32>,
        %mul3A_480 = arith.constant 16 : i32
        %mul3A_481 = arith.muli %scan3A_411, %mul3A_480 : i32
        %multiple_of3A_482 = tpu.assume_multiple %mul3A_481, 16 : i32
        %swap3A = arith.constant 0 : i32
        %swap3A_483 = arith.index_cast %swap3A : i32 to index
        %swap3A_484 = arith.index_cast %multiple_of3A_482 : i32 to index
        %swap3A_485 = tpu.vector_load %arg7[%swap3A_483, %swap3A_484] {strides = array<i32>} : memref<8x8192xf32, #tpu.memory_space<vmem>>, vector<16xf32>,
        tpu.vector_store %arg7[%swap3A_483, %swap3A_484], %gather3A {strides = array<i32>} : memref<8x8192xf32, #tpu.memory_space<vmem>>, vector<16xf32>,
        %swap3A_486 = arith.constant 1 : i32
        %swap3A_487 = arith.index_cast %swap3A_486 : i32 to index
        %swap3A_488 = arith.index_cast %multiple_of3A_482 : i32 to index
        %swap3A_489 = tpu.vector_load %arg7[%swap3A_487, %swap3A_488] {strides = array<i32>} : memref<8x8192xf32, #tpu.memory_space<vmem>>, vector<16xf32>,
        tpu.vector_store %arg7[%swap3A_487, %swap3A_488], %gather3A_455 {strides = array<i32>} : memref<8x8192xf32, #tpu.memory_space<vmem>>, vector<16xf32>,
        %swap3A_490 = arith.constant 2 : i32
        %swap3A_491 = arith.index_cast %swap3A_490 : i32 to index
        %swap3A_492 = arith.index_cast %multiple_of3A_482 : i32 to index
        %swap3A_493 = tpu.vector_load %arg7[%swap3A_491, %swap3A_492] {strides = array<i32>} : memref<8x8192xf32, #tpu.memory_space<vmem>>, vector<16xf32>,
        tpu.vector_store %arg7[%swap3A_491, %swap3A_492], %gather3A_459 {strides = array<i32>} : memref<8x8192xf32, #tpu.memory_space<vmem>>, vector<16xf32>,
        %swap3A_494 = arith.constant 3 : i32
        %swap3A_495 = arith.index_cast %swap3A_494 : i32 to index
        %swap3A_496 = arith.index_cast %multiple_of3A_482 : i32 to index
        %swap3A_497 = tpu.vector_load %arg7[%swap3A_495, %swap3A_496] {strides = array<i32>} : memref<8x8192xf32, #tpu.memory_space<vmem>>, vector<16xf32>,
        tpu.vector_store %arg7[%swap3A_495, %swap3A_496], %gather3A_463 {strides = array<i32>} : memref<8x8192xf32, #tpu.memory_space<vmem>>, vector<16xf32>,
        %swap3A_498 = arith.constant 4 : i32
        %swap3A_499 = arith.index_cast %swap3A_498 : i32 to index
        %swap3A_500 = arith.index_cast %multiple_of3A_482 : i32 to index
        %swap3A_501 = tpu.vector_load %arg7[%swap3A_499, %swap3A_500] {strides = array<i32>} : memref<8x8192xf32, #tpu.memory_space<vmem>>, vector<16xf32>,
        tpu.vector_store %arg7[%swap3A_499, %swap3A_500], %gather3A_467 {strides = array<i32>} : memref<8x8192xf32, #tpu.memory_space<vmem>>, vector<16xf32>,
        %swap3A_502 = arith.constant 5 : i32
        %swap3A_503 = arith.index_cast %swap3A_502 : i32 to index
        %swap3A_504 = arith.index_cast %multiple_of3A_482 : i32 to index
        %swap3A_505 = tpu.vector_load %arg7[%swap3A_503, %swap3A_504] {strides = array<i32>} : memref<8x8192xf32, #tpu.memory_space<vmem>>, vector<16xf32>,
        tpu.vector_store %arg7[%swap3A_503, %swap3A_504], %gather3A_471 {strides = array<i32>} : memref<8x8192xf32, #tpu.memory_space<vmem>>, vector<16xf32>,
        %swap3A_506 = arith.constant 6 : i32
        %swap3A_507 = arith.index_cast %swap3A_506 : i32 to index
        %swap3A_508 = arith.index_cast %multiple_of3A_482 : i32 to index
        %swap3A_509 = tpu.vector_load %arg7[%swap3A_507, %swap3A_508] {strides = array<i32>} : memref<8x8192xf32, #tpu.memory_space<vmem>>, vector<16xf32>,
        tpu.vector_store %arg7[%swap3A_507, %swap3A_508], %gather3A_475 {strides = array<i32>} : memref<8x8192xf32, #tpu.memory_space<vmem>>, vector<16xf32>,
        %swap3A_510 = arith.constant 7 : i32
        %swap3A_511 = arith.index_cast %swap3A_510 : i32 to index
        %swap3A_512 = arith.index_cast %multiple_of3A_482 : i32 to index
        %swap3A_513 = tpu.vector_load %arg7[%swap3A_511, %swap3A_512] {strides = array<i32>} : memref<8x8192xf32, #tpu.memory_space<vmem>>, vector<16xf32>,
        tpu.vector_store %arg7[%swap3A_511, %swap3A_512], %gather3A_479 {strides = array<i32>} : memref<8x8192xf32, #tpu.memory_space<vmem>>, vector<16xf32>,
      }
      %scan3A_218 = arith.constant 512 : i32
      %dma_start3A_219 = arith.constant 0 : i32
      %dma_start3A_220 = arith.constant 8 : i32
      %dma_start3A_221 = arith.constant 0 : i32
      %dma_start3A_222 = tpu.memref_slice %arg7[%dma_start3A_219, %dma_start3A_221] : memref<8x8192xf32, #tpu.memory_space<vmem>> -> memref<1x8192xf32, #tpu.memory_space<vmem>>
      %dma_start3A_223 = tpu.memref_squeeze %dma_start3A_222 : memref<1x8192xf32, #tpu.memory_space<vmem>> -> memref<8192xf32, #tpu.memory_space<vmem>>
      %dma_start3A_224 = tpu.memref_slice %arg4[%dma_start3A_220, %add3A_16] : memref<16x1048576xf32, #tpu.memory_space<hbm>> -> memref<1x8192xf32, #tpu.memory_space<hbm>>
      %dma_start3A_225 = tpu.memref_squeeze %dma_start3A_224 : memref<1x8192xf32, #tpu.memory_space<hbm>> -> memref<8192xf32, #tpu.memory_space<hbm>>
      %dma_start3A_226 = tpu.memref_slice %arg4[%dma_start3A_220, %add3A_16] : memref<16x1048576xf32, #tpu.memory_space<hbm>> -> memref<1x8192xf32, #tpu.memory_space<hbm>>
      %dma_start3A_227 = tpu.memref_squeeze %dma_start3A_226 : memref<1x8192xf32, #tpu.memory_space<hbm>> -> memref<8192xf32, #tpu.memory_space<hbm>>
      %dma_start3A_228 = arith.constant 0 : i32
      %dma_start3A_229 = tpu.memref_slice %arg7[%dma_start3A_219, %dma_start3A_228] : memref<8x8192xf32, #tpu.memory_space<vmem>> -> memref<1x8192xf32, #tpu.memory_space<vmem>>
      %dma_start3A_230 = tpu.memref_squeeze %dma_start3A_229 : memref<1x8192xf32, #tpu.memory_space<vmem>> -> memref<8192xf32, #tpu.memory_space<vmem>>
      tpu.enqueue_dma source(%dma_start3A_230 : memref<8192xf32, #tpu.memory_space<vmem>>) target(%dma_start3A_227 : memref<8192xf32, #tpu.memory_space<hbm>>) target_semaphore(%arg8 : memref<!tpu.dma_semaphore, #tpu.memory_space<semaphore_mem>>)
      %dma_start3A_231 = arith.constant 1 : i32
      %dma_start3A_232 = arith.constant 9 : i32
      %dma_start3A_233 = arith.constant 0 : i32
      %dma_start3A_234 = tpu.memref_slice %arg7[%dma_start3A_231, %dma_start3A_233] : memref<8x8192xf32, #tpu.memory_space<vmem>> -> memref<1x8192xf32, #tpu.memory_space<vmem>>
      %dma_start3A_235 = tpu.memref_squeeze %dma_start3A_234 : memref<1x8192xf32, #tpu.memory_space<vmem>> -> memref<8192xf32, #tpu.memory_space<vmem>>
      %dma_start3A_236 = tpu.memref_slice %arg4[%dma_start3A_232, %add3A_16] : memref<16x1048576xf32, #tpu.memory_space<hbm>> -> memref<1x8192xf32, #tpu.memory_space<hbm>>
      %dma_start3A_237 = tpu.memref_squeeze %dma_start3A_236 : memref<1x8192xf32, #tpu.memory_space<hbm>> -> memref<8192xf32, #tpu.memory_space<hbm>>
      %dma_start3A_238 = tpu.memref_slice %arg4[%dma_start3A_232, %add3A_16] : memref<16x1048576xf32, #tpu.memory_space<hbm>> -> memref<1x8192xf32, #tpu.memory_space<hbm>>
      %dma_start3A_239 = tpu.memref_squeeze %dma_start3A_238 : memref<1x8192xf32, #tpu.memory_space<hbm>> -> memref<8192xf32, #tpu.memory_space<hbm>>
      %dma_start3A_240 = arith.constant 0 : i32
      %dma_start3A_241 = tpu.memref_slice %arg7[%dma_start3A_231, %dma_start3A_240] : memref<8x8192xf32, #tpu.memory_space<vmem>> -> memref<1x8192xf32, #tpu.memory_space<vmem>>
      %dma_start3A_242 = tpu.memref_squeeze %dma_start3A_241 : memref<1x8192xf32, #tpu.memory_space<vmem>> -> memref<8192xf32, #tpu.memory_space<vmem>>
      tpu.enqueue_dma source(%dma_start3A_242 : memref<8192xf32, #tpu.memory_space<vmem>>) target(%dma_start3A_239 : memref<8192xf32, #tpu.memory_space<hbm>>) target_semaphore(%arg8 : memref<!tpu.dma_semaphore, #tpu.memory_space<semaphore_mem>>)
      %dma_start3A_243 = arith.constant 2 : i32
      %dma_start3A_244 = arith.constant 10 : i32
      %dma_start3A_245 = arith.constant 0 : i32
      %dma_start3A_246 = tpu.memref_slice %arg7[%dma_start3A_243, %dma_start3A_245] : memref<8x8192xf32, #tpu.memory_space<vmem>> -> memref<1x8192xf32, #tpu.memory_space<vmem>>
      %dma_start3A_247 = tpu.memref_squeeze %dma_start3A_246 : memref<1x8192xf32, #tpu.memory_space<vmem>> -> memref<8192xf32, #tpu.memory_space<vmem>>
      %dma_start3A_248 = tpu.memref_slice %arg4[%dma_start3A_244, %add3A_16] : memref<16x1048576xf32, #tpu.memory_space<hbm>> -> memref<1x8192xf32, #tpu.memory_space<hbm>>
      %dma_start3A_249 = tpu.memref_squeeze %dma_start3A_248 : memref<1x8192xf32, #tpu.memory_space<hbm>> -> memref<8192xf32, #tpu.memory_space<hbm>>
      %dma_start3A_250 = tpu.memref_slice %arg4[%dma_start3A_244, %add3A_16] : memref<16x1048576xf32, #tpu.memory_space<hbm>> -> memref<1x8192xf32, #tpu.memory_space<hbm>>
      %dma_start3A_251 = tpu.memref_squeeze %dma_start3A_250 : memref<1x8192xf32, #tpu.memory_space<hbm>> -> memref<8192xf32, #tpu.memory_space<hbm>>
      %dma_start3A_252 = arith.constant 0 : i32
      %dma_start3A_253 = tpu.memref_slice %arg7[%dma_start3A_243, %dma_start3A_252] : memref<8x8192xf32, #tpu.memory_space<vmem>> -> memref<1x8192xf32, #tpu.memory_space<vmem>>
      %dma_start3A_254 = tpu.memref_squeeze %dma_start3A_253 : memref<1x8192xf32, #tpu.memory_space<vmem>> -> memref<8192xf32, #tpu.memory_space<vmem>>
      tpu.enqueue_dma source(%dma_start3A_254 : memref<8192xf32, #tpu.memory_space<vmem>>) target(%dma_start3A_251 : memref<8192xf32, #tpu.memory_space<hbm>>) target_semaphore(%arg8 : memref<!tpu.dma_semaphore, #tpu.memory_space<semaphore_mem>>)
      %dma_start3A_255 = arith.constant 3 : i32
      %dma_start3A_256 = arith.constant 11 : i32
      %dma_start3A_257 = arith.constant 0 : i32
      %dma_start3A_258 = tpu.memref_slice %arg7[%dma_start3A_255, %dma_start3A_257] : memref<8x8192xf32, #tpu.memory_space<vmem>> -> memref<1x8192xf32, #tpu.memory_space<vmem>>
      %dma_start3A_259 = tpu.memref_squeeze %dma_start3A_258 : memref<1x8192xf32, #tpu.memory_space<vmem>> -> memref<8192xf32, #tpu.memory_space<vmem>>
      %dma_start3A_260 = tpu.memref_slice %arg4[%dma_start3A_256, %add3A_16] : memref<16x1048576xf32, #tpu.memory_space<hbm>> -> memref<1x8192xf32, #tpu.memory_space<hbm>>
      %dma_start3A_261 = tpu.memref_squeeze %dma_start3A_260 : memref<1x8192xf32, #tpu.memory_space<hbm>> -> memref<8192xf32, #tpu.memory_space<hbm>>
      %dma_start3A_262 = tpu.memref_slice %arg4[%dma_start3A_256, %add3A_16] : memref<16x1048576xf32, #tpu.memory_space<hbm>> -> memref<1x8192xf32, #tpu.memory_space<hbm>>
      %dma_start3A_263 = tpu.memref_squeeze %dma_start3A_262 : memref<1x8192xf32, #tpu.memory_space<hbm>> -> memref<8192xf32, #tpu.memory_space<hbm>>
      %dma_start3A_264 = arith.constant 0 : i32
      %dma_start3A_265 = tpu.memref_slice %arg7[%dma_start3A_255, %dma_start3A_264] : memref<8x8192xf32, #tpu.memory_space<vmem>> -> memref<1x8192xf32, #tpu.memory_space<vmem>>
      %dma_start3A_266 = tpu.memref_squeeze %dma_start3A_265 : memref<1x8192xf32, #tpu.memory_space<vmem>> -> memref<8192xf32, #tpu.memory_space<vmem>>
      tpu.enqueue_dma source(%dma_start3A_266 : memref<8192xf32, #tpu.memory_space<vmem>>) target(%dma_start3A_263 : memref<8192xf32, #tpu.memory_space<hbm>>) target_semaphore(%arg8 : memref<!tpu.dma_semaphore, #tpu.memory_space<semaphore_mem>>)
      %dma_start3A_267 = arith.constant 4 : i32
      %dma_start3A_268 = arith.constant 12 : i32
      %dma_start3A_269 = arith.constant 0 : i32
      %dma_start3A_270 = tpu.memref_slice %arg7[%dma_start3A_267, %dma_start3A_269] : memref<8x8192xf32, #tpu.memory_space<vmem>> -> memref<1x8192xf32, #tpu.memory_space<vmem>>
      %dma_start3A_271 = tpu.memref_squeeze %dma_start3A_270 : memref<1x8192xf32, #tpu.memory_space<vmem>> -> memref<8192xf32, #tpu.memory_space<vmem>>
      %dma_start3A_272 = tpu.memref_slice %arg4[%dma_start3A_268, %add3A_16] : memref<16x1048576xf32, #tpu.memory_space<hbm>> -> memref<1x8192xf32, #tpu.memory_space<hbm>>
      %dma_start3A_273 = tpu.memref_squeeze %dma_start3A_272 : memref<1x8192xf32, #tpu.memory_space<hbm>> -> memref<8192xf32, #tpu.memory_space<hbm>>
      %dma_start3A_274 = tpu.memref_slice %arg4[%dma_start3A_268, %add3A_16] : memref<16x1048576xf32, #tpu.memory_space<hbm>> -> memref<1x8192xf32, #tpu.memory_space<hbm>>
      %dma_start3A_275 = tpu.memref_squeeze %dma_start3A_274 : memref<1x8192xf32, #tpu.memory_space<hbm>> -> memref<8192xf32, #tpu.memory_space<hbm>>
      %dma_start3A_276 = arith.constant 0 : i32
      %dma_start3A_277 = tpu.memref_slice %arg7[%dma_start3A_267, %dma_start3A_276] : memref<8x8192xf32, #tpu.memory_space<vmem>> -> memref<1x8192xf32, #tpu.memory_space<vmem>>
      %dma_start3A_278 = tpu.memref_squeeze %dma_start3A_277 : memref<1x8192xf32, #tpu.memory_space<vmem>> -> memref<8192xf32, #tpu.memory_space<vmem>>
      tpu.enqueue_dma source(%dma_start3A_278 : memref<8192xf32, #tpu.memory_space<vmem>>) target(%dma_start3A_275 : memref<8192xf32, #tpu.memory_space<hbm>>) target_semaphore(%arg8 : memref<!tpu.dma_semaphore, #tpu.memory_space<semaphore_mem>>)
      %dma_start3A_279 = arith.constant 5 : i32
      %dma_start3A_280 = arith.constant 13 : i32
      %dma_start3A_281 = arith.constant 0 : i32
      %dma_start3A_282 = tpu.memref_slice %arg7[%dma_start3A_279, %dma_start3A_281] : memref<8x8192xf32, #tpu.memory_space<vmem>> -> memref<1x8192xf32, #tpu.memory_space<vmem>>
      %dma_start3A_283 = tpu.memref_squeeze %dma_start3A_282 : memref<1x8192xf32, #tpu.memory_space<vmem>> -> memref<8192xf32, #tpu.memory_space<vmem>>
      %dma_start3A_284 = tpu.memref_slice %arg4[%dma_start3A_280, %add3A_16] : memref<16x1048576xf32, #tpu.memory_space<hbm>> -> memref<1x8192xf32, #tpu.memory_space<hbm>>
      %dma_start3A_285 = tpu.memref_squeeze %dma_start3A_284 : memref<1x8192xf32, #tpu.memory_space<hbm>> -> memref<8192xf32, #tpu.memory_space<hbm>>
      %dma_start3A_286 = tpu.memref_slice %arg4[%dma_start3A_280, %add3A_16] : memref<16x1048576xf32, #tpu.memory_space<hbm>> -> memref<1x8192xf32, #tpu.memory_space<hbm>>
      %dma_start3A_287 = tpu.memref_squeeze %dma_start3A_286 : memref<1x8192xf32, #tpu.memory_space<hbm>> -> memref<8192xf32, #tpu.memory_space<hbm>>
      %dma_start3A_288 = arith.constant 0 : i32
      %dma_start3A_289 = tpu.memref_slice %arg7[%dma_start3A_279, %dma_start3A_288] : memref<8x8192xf32, #tpu.memory_space<vmem>> -> memref<1x8192xf32, #tpu.memory_space<vmem>>
      %dma_start3A_290 = tpu.memref_squeeze %dma_start3A_289 : memref<1x8192xf32, #tpu.memory_space<vmem>> -> memref<8192xf32, #tpu.memory_space<vmem>>
      tpu.enqueue_dma source(%dma_start3A_290 : memref<8192xf32, #tpu.memory_space<vmem>>) target(%dma_start3A_287 : memref<8192xf32, #tpu.memory_space<hbm>>) target_semaphore(%arg8 : memref<!tpu.dma_semaphore, #tpu.memory_space<semaphore_mem>>)
      %dma_start3A_291 = arith.constant 6 : i32
      %dma_start3A_292 = arith.constant 14 : i32
      %dma_start3A_293 = arith.constant 0 : i32
      %dma_start3A_294 = tpu.memref_slice %arg7[%dma_start3A_291, %dma_start3A_293] : memref<8x8192xf32, #tpu.memory_space<vmem>> -> memref<1x8192xf32, #tpu.memory_space<vmem>>
      %dma_start3A_295 = tpu.memref_squeeze %dma_start3A_294 : memref<1x8192xf32, #tpu.memory_space<vmem>> -> memref<8192xf32, #tpu.memory_space<vmem>>
      %dma_start3A_296 = tpu.memref_slice %arg4[%dma_start3A_292, %add3A_16] : memref<16x1048576xf32, #tpu.memory_space<hbm>> -> memref<1x8192xf32, #tpu.memory_space<hbm>>
      %dma_start3A_297 = tpu.memref_squeeze %dma_start3A_296 : memref<1x8192xf32, #tpu.memory_space<hbm>> -> memref<8192xf32, #tpu.memory_space<hbm>>
      %dma_start3A_298 = tpu.memref_slice %arg4[%dma_start3A_292, %add3A_16] : memref<16x1048576xf32, #tpu.memory_space<hbm>> -> memref<1x8192xf32, #tpu.memory_space<hbm>>
      %dma_start3A_299 = tpu.memref_squeeze %dma_start3A_298 : memref<1x8192xf32, #tpu.memory_space<hbm>> -> memref<8192xf32, #tpu.memory_space<hbm>>
      %dma_start3A_300 = arith.constant 0 : i32
      %dma_start3A_301 = tpu.memref_slice %arg7[%dma_start3A_291, %dma_start3A_300] : memref<8x8192xf32, #tpu.memory_space<vmem>> -> memref<1x8192xf32, #tpu.memory_space<vmem>>
      %dma_start3A_302 = tpu.memref_squeeze %dma_start3A_301 : memref<1x8192xf32, #tpu.memory_space<vmem>> -> memref<8192xf32, #tpu.memory_space<vmem>>
      tpu.enqueue_dma source(%dma_start3A_302 : memref<8192xf32, #tpu.memory_space<vmem>>) target(%dma_start3A_299 : memref<8192xf32, #tpu.memory_space<hbm>>) target_semaphore(%arg8 : memref<!tpu.dma_semaphore, #tpu.memory_space<semaphore_mem>>)
      %dma_start3A_303 = arith.constant 7 : i32
      %dma_start3A_304 = arith.constant 15 : i32
      %dma_start3A_305 = arith.constant 0 : i32
      %dma_start3A_306 = tpu.memref_slice %arg7[%dma_start3A_303, %dma_start3A_305] : memref<8x8192xf32, #tpu.memory_space<vmem>> -> memref<1x8192xf32, #tpu.memory_space<vmem>>
      %dma_start3A_307 = tpu.memref_squeeze %dma_start3A_306 : memref<1x8192xf32, #tpu.memory_space<vmem>> -> memref<8192xf32, #tpu.memory_space<vmem>>
      %dma_start3A_308 = tpu.memref_slice %arg4[%dma_start3A_304, %add3A_16] : memref<16x1048576xf32, #tpu.memory_space<hbm>> -> memref<1x8192xf32, #tpu.memory_space<hbm>>
      %dma_start3A_309 = tpu.memref_squeeze %dma_start3A_308 : memref<1x8192xf32, #tpu.memory_space<hbm>> -> memref<8192xf32, #tpu.memory_space<hbm>>
      %dma_start3A_310 = tpu.memref_slice %arg4[%dma_start3A_304, %add3A_16] : memref<16x1048576xf32, #tpu.memory_space<hbm>> -> memref<1x8192xf32, #tpu.memory_space<hbm>>
      %dma_start3A_311 = tpu.memref_squeeze %dma_start3A_310 : memref<1x8192xf32, #tpu.memory_space<hbm>> -> memref<8192xf32, #tpu.memory_space<hbm>>
      %dma_start3A_312 = arith.constant 0 : i32
      %dma_start3A_313 = tpu.memref_slice %arg7[%dma_start3A_303, %dma_start3A_312] : memref<8x8192xf32, #tpu.memory_space<vmem>> -> memref<1x8192xf32, #tpu.memory_space<vmem>>
      %dma_start3A_314 = tpu.memref_squeeze %dma_start3A_313 : memref<1x8192xf32, #tpu.memory_space<vmem>> -> memref<8192xf32, #tpu.memory_space<vmem>>
      tpu.enqueue_dma source(%dma_start3A_314 : memref<8192xf32, #tpu.memory_space<vmem>>) target(%dma_start3A_311 : memref<8192xf32, #tpu.memory_space<hbm>>) target_semaphore(%arg8 : memref<!tpu.dma_semaphore, #tpu.memory_space<semaphore_mem>>)
      %dma_wait3A_315 = arith.constant 0 : i32
      %dma_wait3A_316 = arith.constant 8 : i32
      %dma_wait3A_317 = arith.constant 0 : i32
      %dma_wait3A_318 = tpu.memref_slice %arg7[%dma_wait3A_315, %dma_wait3A_317] : memref<8x8192xf32, #tpu.memory_space<vmem>> -> memref<1x8192xf32, #tpu.memory_space<vmem>>
      %dma_wait3A_319 = tpu.memref_squeeze %dma_wait3A_318 : memref<1x8192xf32, #tpu.memory_space<vmem>> -> memref<8192xf32, #tpu.memory_space<vmem>>
      %dma_wait3A_320 = tpu.memref_slice %arg4[%dma_wait3A_316, %add3A_16] : memref<16x1048576xf32, #tpu.memory_space<hbm>> -> memref<1x8192xf32, #tpu.memory_space<hbm>>
      %dma_wait3A_321 = tpu.memref_squeeze %dma_wait3A_320 : memref<1x8192xf32, #tpu.memory_space<hbm>> -> memref<8192xf32, #tpu.memory_space<hbm>>
      %dma_wait3A_322 = tpu.memref_slice %arg4[%dma_wait3A_316, %add3A_16] : memref<16x1048576xf32, #tpu.memory_space<hbm>> -> memref<1x8192xf32, #tpu.memory_space<hbm>>
      %dma_wait3A_323 = tpu.memref_squeeze %dma_wait3A_322 : memref<1x8192xf32, #tpu.memory_space<hbm>> -> memref<8192xf32, #tpu.memory_space<hbm>>
      %dma_wait3A_324 = arith.constant 0 : i32
      %dma_wait3A_325 = tpu.memref_slice %arg7[%dma_wait3A_315, %dma_wait3A_324] : memref<8x8192xf32, #tpu.memory_space<vmem>> -> memref<1x8192xf32, #tpu.memory_space<vmem>>
      %dma_wait3A_326 = tpu.memref_squeeze %dma_wait3A_325 : memref<1x8192xf32, #tpu.memory_space<vmem>> -> memref<8192xf32, #tpu.memory_space<vmem>>
      tpu.wait_dma2 semaphore(%arg8 : memref<!tpu.dma_semaphore, #tpu.memory_space<semaphore_mem>>) src(%dma_wait3A_326 : memref<8192xf32, #tpu.memory_space<vmem>>) dst(%dma_wait3A_323 : memref<8192xf32, #tpu.memory_space<hbm>>)
      %dma_wait3A_327 = arith.constant 1 : i32
      %dma_wait3A_328 = arith.constant 9 : i32
      %dma_wait3A_329 = arith.constant 0 : i32
      %dma_wait3A_330 = tpu.memref_slice %arg7[%dma_wait3A_327, %dma_wait3A_329] : memref<8x8192xf32, #tpu.memory_space<vmem>> -> memref<1x8192xf32, #tpu.memory_space<vmem>>
      %dma_wait3A_331 = tpu.memref_squeeze %dma_wait3A_330 : memref<1x8192xf32, #tpu.memory_space<vmem>> -> memref<8192xf32, #tpu.memory_space<vmem>>
      %dma_wait3A_332 = tpu.memref_slice %arg4[%dma_wait3A_328, %add3A_16] : memref<16x1048576xf32, #tpu.memory_space<hbm>> -> memref<1x8192xf32, #tpu.memory_space<hbm>>
      %dma_wait3A_333 = tpu.memref_squeeze %dma_wait3A_332 : memref<1x8192xf32, #tpu.memory_space<hbm>> -> memref<8192xf32, #tpu.memory_space<hbm>>
      %dma_wait3A_334 = tpu.memref_slice %arg4[%dma_wait3A_328, %add3A_16] : memref<16x1048576xf32, #tpu.memory_space<hbm>> -> memref<1x8192xf32, #tpu.memory_space<hbm>>
      %dma_wait3A_335 = tpu.memref_squeeze %dma_wait3A_334 : memref<1x8192xf32, #tpu.memory_space<hbm>> -> memref<8192xf32, #tpu.memory_space<hbm>>
      %dma_wait3A_336 = arith.constant 0 : i32
      %dma_wait3A_337 = tpu.memref_slice %arg7[%dma_wait3A_327, %dma_wait3A_336] : memref<8x8192xf32, #tpu.memory_space<vmem>> -> memref<1x8192xf32, #tpu.memory_space<vmem>>
      %dma_wait3A_338 = tpu.memref_squeeze %dma_wait3A_337 : memref<1x8192xf32, #tpu.memory_space<vmem>> -> memref<8192xf32, #tpu.memory_space<vmem>>
      tpu.wait_dma2 semaphore(%arg8 : memref<!tpu.dma_semaphore, #tpu.memory_space<semaphore_mem>>) src(%dma_wait3A_338 : memref<8192xf32, #tpu.memory_space<vmem>>) dst(%dma_wait3A_335 : memref<8192xf32, #tpu.memory_space<hbm>>)
      %dma_wait3A_339 = arith.constant 2 : i32
      %dma_wait3A_340 = arith.constant 10 : i32
      %dma_wait3A_341 = arith.constant 0 : i32
      %dma_wait3A_342 = tpu.memref_slice %arg7[%dma_wait3A_339, %dma_wait3A_341] : memref<8x8192xf32, #tpu.memory_space<vmem>> -> memref<1x8192xf32, #tpu.memory_space<vmem>>
      %dma_wait3A_343 = tpu.memref_squeeze %dma_wait3A_342 : memref<1x8192xf32, #tpu.memory_space<vmem>> -> memref<8192xf32, #tpu.memory_space<vmem>>
      %dma_wait3A_344 = tpu.memref_slice %arg4[%dma_wait3A_340, %add3A_16] : memref<16x1048576xf32, #tpu.memory_space<hbm>> -> memref<1x8192xf32, #tpu.memory_space<hbm>>
      %dma_wait3A_345 = tpu.memref_squeeze %dma_wait3A_344 : memref<1x8192xf32, #tpu.memory_space<hbm>> -> memref<8192xf32, #tpu.memory_space<hbm>>
      %dma_wait3A_346 = tpu.memref_slice %arg4[%dma_wait3A_340, %add3A_16] : memref<16x1048576xf32, #tpu.memory_space<hbm>> -> memref<1x8192xf32, #tpu.memory_space<hbm>>
      %dma_wait3A_347 = tpu.memref_squeeze %dma_wait3A_346 : memref<1x8192xf32, #tpu.memory_space<hbm>> -> memref<8192xf32, #tpu.memory_space<hbm>>
      %dma_wait3A_348 = arith.constant 0 : i32
      %dma_wait3A_349 = tpu.memref_slice %arg7[%dma_wait3A_339, %dma_wait3A_348] : memref<8x8192xf32, #tpu.memory_space<vmem>> -> memref<1x8192xf32, #tpu.memory_space<vmem>>
      %dma_wait3A_350 = tpu.memref_squeeze %dma_wait3A_349 : memref<1x8192xf32, #tpu.memory_space<vmem>> -> memref<8192xf32, #tpu.memory_space<vmem>>
      tpu.wait_dma2 semaphore(%arg8 : memref<!tpu.dma_semaphore, #tpu.memory_space<semaphore_mem>>) src(%dma_wait3A_350 : memref<8192xf32, #tpu.memory_space<vmem>>) dst(%dma_wait3A_347 : memref<8192xf32, #tpu.memory_space<hbm>>)
      %dma_wait3A_351 = arith.constant 3 : i32
      %dma_wait3A_352 = arith.constant 11 : i32
      %dma_wait3A_353 = arith.constant 0 : i32
      %dma_wait3A_354 = tpu.memref_slice %arg7[%dma_wait3A_351, %dma_wait3A_353] : memref<8x8192xf32, #tpu.memory_space<vmem>> -> memref<1x8192xf32, #tpu.memory_space<vmem>>
      %dma_wait3A_355 = tpu.memref_squeeze %dma_wait3A_354 : memref<1x8192xf32, #tpu.memory_space<vmem>> -> memref<8192xf32, #tpu.memory_space<vmem>>
      %dma_wait3A_356 = tpu.memref_slice %arg4[%dma_wait3A_352, %add3A_16] : memref<16x1048576xf32, #tpu.memory_space<hbm>> -> memref<1x8192xf32, #tpu.memory_space<hbm>>
      %dma_wait3A_357 = tpu.memref_squeeze %dma_wait3A_356 : memref<1x8192xf32, #tpu.memory_space<hbm>> -> memref<8192xf32, #tpu.memory_space<hbm>>
      %dma_wait3A_358 = tpu.memref_slice %arg4[%dma_wait3A_352, %add3A_16] : memref<16x1048576xf32, #tpu.memory_space<hbm>> -> memref<1x8192xf32, #tpu.memory_space<hbm>>
      %dma_wait3A_359 = tpu.memref_squeeze %dma_wait3A_358 : memref<1x8192xf32, #tpu.memory_space<hbm>> -> memref<8192xf32, #tpu.memory_space<hbm>>
      %dma_wait3A_360 = arith.constant 0 : i32
      %dma_wait3A_361 = tpu.memref_slice %arg7[%dma_wait3A_351, %dma_wait3A_360] : memref<8x8192xf32, #tpu.memory_space<vmem>> -> memref<1x8192xf32, #tpu.memory_space<vmem>>
      %dma_wait3A_362 = tpu.memref_squeeze %dma_wait3A_361 : memref<1x8192xf32, #tpu.memory_space<vmem>> -> memref<8192xf32, #tpu.memory_space<vmem>>
      tpu.wait_dma2 semaphore(%arg8 : memref<!tpu.dma_semaphore, #tpu.memory_space<semaphore_mem>>) src(%dma_wait3A_362 : memref<8192xf32, #tpu.memory_space<vmem>>) dst(%dma_wait3A_359 : memref<8192xf32, #tpu.memory_space<hbm>>)
      %dma_wait3A_363 = arith.constant 4 : i32
      %dma_wait3A_364 = arith.constant 12 : i32
      %dma_wait3A_365 = arith.constant 0 : i32
      %dma_wait3A_366 = tpu.memref_slice %arg7[%dma_wait3A_363, %dma_wait3A_365] : memref<8x8192xf32, #tpu.memory_space<vmem>> -> memref<1x8192xf32, #tpu.memory_space<vmem>>
      %dma_wait3A_367 = tpu.memref_squeeze %dma_wait3A_366 : memref<1x8192xf32, #tpu.memory_space<vmem>> -> memref<8192xf32, #tpu.memory_space<vmem>>
      %dma_wait3A_368 = tpu.memref_slice %arg4[%dma_wait3A_364, %add3A_16] : memref<16x1048576xf32, #tpu.memory_space<hbm>> -> memref<1x8192xf32, #tpu.memory_space<hbm>>
      %dma_wait3A_369 = tpu.memref_squeeze %dma_wait3A_368 : memref<1x8192xf32, #tpu.memory_space<hbm>> -> memref<8192xf32, #tpu.memory_space<hbm>>
      %dma_wait3A_370 = tpu.memref_slice %arg4[%dma_wait3A_364, %add3A_16] : memref<16x1048576xf32, #tpu.memory_space<hbm>> -> memref<1x8192xf32, #tpu.memory_space<hbm>>
      %dma_wait3A_371 = tpu.memref_squeeze %dma_wait3A_370 : memref<1x8192xf32, #tpu.memory_space<hbm>> -> memref<8192xf32, #tpu.memory_space<hbm>>
      %dma_wait3A_372 = arith.constant 0 : i32
      %dma_wait3A_373 = tpu.memref_slice %arg7[%dma_wait3A_363, %dma_wait3A_372] : memref<8x8192xf32, #tpu.memory_space<vmem>> -> memref<1x8192xf32, #tpu.memory_space<vmem>>
      %dma_wait3A_374 = tpu.memref_squeeze %dma_wait3A_373 : memref<1x8192xf32, #tpu.memory_space<vmem>> -> memref<8192xf32, #tpu.memory_space<vmem>>
      tpu.wait_dma2 semaphore(%arg8 : memref<!tpu.dma_semaphore, #tpu.memory_space<semaphore_mem>>) src(%dma_wait3A_374 : memref<8192xf32, #tpu.memory_space<vmem>>) dst(%dma_wait3A_371 : memref<8192xf32, #tpu.memory_space<hbm>>)
      %dma_wait3A_375 = arith.constant 5 : i32
      %dma_wait3A_376 = arith.constant 13 : i32
      %dma_wait3A_377 = arith.constant 0 : i32
      %dma_wait3A_378 = tpu.memref_slice %arg7[%dma_wait3A_375, %dma_wait3A_377] : memref<8x8192xf32, #tpu.memory_space<vmem>> -> memref<1x8192xf32, #tpu.memory_space<vmem>>
      %dma_wait3A_379 = tpu.memref_squeeze %dma_wait3A_378 : memref<1x8192xf32, #tpu.memory_space<vmem>> -> memref<8192xf32, #tpu.memory_space<vmem>>
      %dma_wait3A_380 = tpu.memref_slice %arg4[%dma_wait3A_376, %add3A_16] : memref<16x1048576xf32, #tpu.memory_space<hbm>> -> memref<1x8192xf32, #tpu.memory_space<hbm>>
      %dma_wait3A_381 = tpu.memref_squeeze %dma_wait3A_380 : memref<1x8192xf32, #tpu.memory_space<hbm>> -> memref<8192xf32, #tpu.memory_space<hbm>>
      %dma_wait3A_382 = tpu.memref_slice %arg4[%dma_wait3A_376, %add3A_16] : memref<16x1048576xf32, #tpu.memory_space<hbm>> -> memref<1x8192xf32, #tpu.memory_space<hbm>>
      %dma_wait3A_383 = tpu.memref_squeeze %dma_wait3A_382 : memref<1x8192xf32, #tpu.memory_space<hbm>> -> memref<8192xf32, #tpu.memory_space<hbm>>
      %dma_wait3A_384 = arith.constant 0 : i32
      %dma_wait3A_385 = tpu.memref_slice %arg7[%dma_wait3A_375, %dma_wait3A_384] : memref<8x8192xf32, #tpu.memory_space<vmem>> -> memref<1x8192xf32, #tpu.memory_space<vmem>>
      %dma_wait3A_386 = tpu.memref_squeeze %dma_wait3A_385 : memref<1x8192xf32, #tpu.memory_space<vmem>> -> memref<8192xf32, #tpu.memory_space<vmem>>
      tpu.wait_dma2 semaphore(%arg8 : memref<!tpu.dma_semaphore, #tpu.memory_space<semaphore_mem>>) src(%dma_wait3A_386 : memref<8192xf32, #tpu.memory_space<vmem>>) dst(%dma_wait3A_383 : memref<8192xf32, #tpu.memory_space<hbm>>)
      %dma_wait3A_387 = arith.constant 6 : i32
      %dma_wait3A_388 = arith.constant 14 : i32
      %dma_wait3A_389 = arith.constant 0 : i32
      %dma_wait3A_390 = tpu.memref_slice %arg7[%dma_wait3A_387, %dma_wait3A_389] : memref<8x8192xf32, #tpu.memory_space<vmem>> -> memref<1x8192xf32, #tpu.memory_space<vmem>>
      %dma_wait3A_391 = tpu.memref_squeeze %dma_wait3A_390 : memref<1x8192xf32, #tpu.memory_space<vmem>> -> memref<8192xf32, #tpu.memory_space<vmem>>
      %dma_wait3A_392 = tpu.memref_slice %arg4[%dma_wait3A_388, %add3A_16] : memref<16x1048576xf32, #tpu.memory_space<hbm>> -> memref<1x8192xf32, #tpu.memory_space<hbm>>
      %dma_wait3A_393 = tpu.memref_squeeze %dma_wait3A_392 : memref<1x8192xf32, #tpu.memory_space<hbm>> -> memref<8192xf32, #tpu.memory_space<hbm>>
      %dma_wait3A_394 = tpu.memref_slice %arg4[%dma_wait3A_388, %add3A_16] : memref<16x1048576xf32, #tpu.memory_space<hbm>> -> memref<1x8192xf32, #tpu.memory_space<hbm>>
      %dma_wait3A_395 = tpu.memref_squeeze %dma_wait3A_394 : memref<1x8192xf32, #tpu.memory_space<hbm>> -> memref<8192xf32, #tpu.memory_space<hbm>>
      %dma_wait3A_396 = arith.constant 0 : i32
      %dma_wait3A_397 = tpu.memref_slice %arg7[%dma_wait3A_387, %dma_wait3A_396] : memref<8x8192xf32, #tpu.memory_space<vmem>> -> memref<1x8192xf32, #tpu.memory_space<vmem>>
      %dma_wait3A_398 = tpu.memref_squeeze %dma_wait3A_397 : memref<1x8192xf32, #tpu.memory_space<vmem>> -> memref<8192xf32, #tpu.memory_space<vmem>>
      tpu.wait_dma2 semaphore(%arg8 : memref<!tpu.dma_semaphore, #tpu.memory_space<semaphore_mem>>) src(%dma_wait3A_398 : memref<8192xf32, #tpu.memory_space<vmem>>) dst(%dma_wait3A_395 : memref<8192xf32, #tpu.memory_space<hbm>>)
      %dma_wait3A_399 = arith.constant 7 : i32
      %dma_wait3A_400 = arith.constant 15 : i32
      %dma_wait3A_401 = arith.constant 0 : i32
      %dma_wait3A_402 = tpu.memref_slice %arg7[%dma_wait3A_399, %dma_wait3A_401] : memref<8x8192xf32, #tpu.memory_space<vmem>> -> memref<1x8192xf32, #tpu.memory_space<vmem>>
      %dma_wait3A_403 = tpu.memref_squeeze %dma_wait3A_402 : memref<1x8192xf32, #tpu.memory_space<vmem>> -> memref<8192xf32, #tpu.memory_space<vmem>>
      %dma_wait3A_404 = tpu.memref_slice %arg4[%dma_wait3A_400, %add3A_16] : memref<16x1048576xf32, #tpu.memory_space<hbm>> -> memref<1x8192xf32, #tpu.memory_space<hbm>>
      %dma_wait3A_405 = tpu.memref_squeeze %dma_wait3A_404 : memref<1x8192xf32, #tpu.memory_space<hbm>> -> memref<8192xf32, #tpu.memory_space<hbm>>
      %dma_wait3A_406 = tpu.memref_slice %arg4[%dma_wait3A_400, %add3A_16] : memref<16x1048576xf32, #tpu.memory_space<hbm>> -> memref<1x8192xf32, #tpu.memory_space<hbm>>
      %dma_wait3A_407 = tpu.memref_squeeze %dma_wait3A_406 : memref<1x8192xf32, #tpu.memory_space<hbm>> -> memref<8192xf32, #tpu.memory_space<hbm>>
      %dma_wait3A_408 = arith.constant 0 : i32
      %dma_wait3A_409 = tpu.memref_slice %arg7[%dma_wait3A_399, %dma_wait3A_408] : memref<8x8192xf32, #tpu.memory_space<vmem>> -> memref<1x8192xf32, #tpu.memory_space<vmem>>
      %dma_wait3A_410 = tpu.memref_squeeze %dma_wait3A_409 : memref<1x8192xf32, #tpu.memory_space<vmem>> -> memref<8192xf32, #tpu.memory_space<vmem>>
      tpu.wait_dma2 semaphore(%arg8 : memref<!tpu.dma_semaphore, #tpu.memory_space<semaphore_mem>>) src(%dma_wait3A_410 : memref<8192xf32, #tpu.memory_space<vmem>>) dst(%dma_wait3A_407 : memref<8192xf32, #tpu.memory_space<hbm>>)
    }
    %scan3A_9 = arith.constant 4 : i32
    return
  }
}

</mosaic_0001>

<sc_bundles>
// kernel: kernel.3.cloned.1.call-start
scs
__scs_entry_jumppad:
0x0: {  	(pc) =	sbr.rel $0x88, $3  }
0x1: {  	(tag) =	ssettag $0x0;
	lr =	simm.s32 $0x1  }
0x2: {  	[smem:$0x3F9F] =	sst lr;
	_ =	strace $0xD0000000  }
0x3: {  	_ = 	snop  }
0x4: {  	_ = 	snop  }
0x5: {  	_ = 	snop  }
0x6: {  	_ = 	snop  }
0x7: {  	_ = 	snop  }
__scs_overlays_trampoline_lowered:
0x8: {  	[smem:$0x3FAE] =	sst s0  }
0x9: {  	[smem:$0x3FAF] =	sst s1  }
0xa: {  	[smem:$0x3FB0] =	sst s2  }
0xb: {  	[smem:$0x3FB1] =	sst s3  }
0xc: {  	[smem:$0x3FB2] =	sst s4  }
0xd: {  	[smem:$0x3FB3] =	sst s5  }
0xe: {  	[smem:$0x3FB4] =	sst s6  }
0xf: {  	[smem:$0x3FB5] =	sst s7  }
0x10: {  	[smem:$0x3FB6] =	sst s8  }
0x11: {  	[smem:$0x3FB7] =	sst s9;
	s0 =	simm.s32 @!p0 $0x0  }
0x12: {  	s1 =	sld [smem:$0x3F9D];
	s0 =	simm.s32 @p0 $0x1  }
0x13: {  	[smem:$0x3FB8] =	sst s0;
	s0 =	simm.s32 @!p1 $0x0  }
0x14: {  	s2 =	sld [smem:$0x3F9C];
	s0 =	simm.s32 @p1 $0x1  }
0x15: {  	[smem:$0x3FB9] =	sst s0;
	s0 =	simm.s32 @!p2 $0x0  }
0x16: {  	s3 =	sld [smem:$0x3FDB];
	s0 =	simm.s32 @p2 $0x1  }
0x17: {  	s4 =	simm.s32 $0x1BF5;
	[smem:$0x3FBB] =	sst s0  }
0x18: {  	s0 =	sld [smem:$0x3F9E];
	_ =	swait.ge [sflag:s4], $0x0  }
0x19: {  	s7 =	sld [smem:$0x3F9F]  }
0x1a: {  	s8 =	sadd.s32 $0xFFFFE003, lr  }
0x1b: {  	s9 =	sadd.s32 $0xFFFFFEF7, lr;
	s5 =	simm.s32 $0xFFFFFFFF;
	p2 =	slt.u32 s8, $0xFFFFF086  }
0x1c: {  	p1 =	slt.u32 s9, $0xF7A;
	s5 =	simm.s32 @!p2 $0x0  }
0x1d: {  	s5 =	simm.s32 @p1 $0x1;
	p0 =	seq.s32 s7, s2  }
0x1e: {  	s7 =	smul.u32 @!p0 $0xF7A, s2;
	p2 =	seq.s32 @!p0 s5, $0x0  }
0x1f: {  	s9 =	smul.u32 $0xF7A, s1;
	s8 =	simm.s32 @!p0 $0x1BF5;
	p2 =	por !p2, p0  }
0x20: {  	[sflag:s8] =	ssyncset.s32 @!p0 $0xFFFFF086;
	s6 =	sadd.s32 @!p0 s3, s7;
	s7 =	simm.s32 @!p0 $0x108  }
0x21: {  	s3 =	sadd.s32 s3, s9;
	s6 =	sadd.s32 @!p0 $0x88, s6;
	s7 =	simm.s32 @p2 $0x1082  }
0x22: {  	[simem:s7], [sflag:s8] =	dma.local @!p0 [hbm:s6], $0xF7A  }
0x23: {  	s9 =	sor.u32 $0xD0000000, s2;
	s6 =	simm.s32 $0x108;
	_ =	swait.ge @!p0 [sflag:s8], $0x0  }
0x24: {  	s3 =	sadd.s32 $0x88, s3;
	s6 =	simm.s32 @!p1 $0x1082;
	[sflag:s4] =	ssyncset.s32 $0xFFFFF086  }
0x25: {  	[simem:s6], [sflag:s4] =	dma.local [hbm:s3], $0xF7A  }
0x26: {  	[smem:$0x3F9F] =	sst s1;
	(tag) =	ssettag s2;
	_ =	strace s9  }
0x27: {  	s1 =	sld [smem:$0x3FAF]  }
0x28: {  	s2 =	sld [smem:$0x3FB0]  }
0x29: {  	s4 =	sld [smem:$0x3FB2]  }
0x2a: {  	p0 =	seq.s32 s5, $0x0;
	s5 =	sld [smem:$0x3FB3]  }
0x2b: {  	s6 =	sld [smem:$0x3FB4]  }
0x2c: {  	s7 =	sld [smem:$0x3FB5]  }
0x2d: {  	s3 =	simm.s32 $0x108;
	s8 =	sld [smem:$0x3FB6]  }
0x2e: {  	s3 =	simm.s32 @!p0 $0x1082;
	s9 =	sld [smem:$0x3FB7]  }
0x2f: {  	lr =	sadd.s32 s0, s3;
	s0 =	sld [smem:$0x3FAE]  }
0x30: {  	s3 =	sld [smem:$0x3FB1]  }
0x31: {  	[smem:$0x3FBA] =	sst s10  }
0x32: {  	s10 =	sld [smem:$0x3FB8];
	_ =	sdelay $0x3  }
0x33: {  	p0 =	seq.s32 s10, $0x1;
	s10 =	sld [smem:$0x3FBA];
	_ =	sdelay $0x3  }
0x34: {  	[smem:$0x3FBA] =	sst s10  }
0x35: {  	s10 =	sld [smem:$0x3FB9];
	_ =	sdelay $0x3  }
0x36: {  	p1 =	seq.s32 s10, $0x1;
	s10 =	sld [smem:$0x3FBA];
	_ =	sdelay $0x3  }
0x37: {  	[smem:$0x3FBA] =	sst s10  }
0x38: {  	s10 =	sld [smem:$0x3FBB]  }
0x39: {  	_ = 	snop;
	(pc) =	sbr.ind lr, $3  }
0x3a: {  	_ = 	snop  }
0x3b: {  	_ = 	snop  }
0x3c: {  	p2 =	seq.s32 s10, $0x1;
	s10 =	sld [smem:$0x3FBA]  }
0x3d: {  	_ =	shalt  }
0x3e: {  	_ =	shalt  }
0x3f: {  	_ =	shalt  }
0x40: {  	_ =	shalt  }
0x41: {  	_ =	shalt  }
0x42: {  	_ =	shalt  }
0x43: {  	_ =	shalt  }
0x44: {  	_ =	shalt  }
0x45: {  	_ =	shalt  }
0x46: {  	_ =	shalt  }
0x47: {  	_ =	shalt  }
0x48: {  	_ =	shalt  }
0x49: {  	_ =	shalt  }
0x4a: {  	_ =	shalt  }
0x4b: {  	_ =	shalt  }
0x4c: {  	_ =	shalt  }
0x4d: {  	_ =	shalt  }
0x4e: {  	_ =	shalt  }
0x4f: {  	_ =	shalt  }
0x50: {  	_ =	shalt  }
0x51: {  	_ =	shalt  }
0x52: {  	_ =	shalt  }
0x53: {  	_ =	shalt  }
0x54: {  	_ =	shalt  }
0x55: {  	_ =	shalt  }
0x56: {  	_ =	shalt  }
0x57: {  	_ =	shalt  }
0x58: {  	_ =	shalt  }
0x59: {  	_ =	shalt  }
0x5a: {  	_ =	shalt  }
0x5b: {  	_ =	shalt  }
0x5c: {  	_ =	shalt  }
0x5d: {  	_ =	shalt  }
0x5e: {  	_ =	shalt  }
0x5f: {  	_ =	shalt  }
0x60: {  	_ =	shalt  }
0x61: {  	_ =	shalt  }
0x62: {  	_ =	shalt  }
0x63: {  	_ =	shalt  }
0x64: {  	_ =	shalt  }
0x65: {  	_ =	shalt  }
0x66: {  	_ =	shalt  }
0x67: {  	_ =	shalt  }
0x68: {  	_ =	shalt  }
0x69: {  	_ =	shalt  }
0x6a: {  	_ =	shalt  }
0x6b: {  	_ =	shalt  }
0x6c: {  	_ =	shalt  }
0x6d: {  	_ =	shalt  }
0x6e: {  	_ =	shalt  }
0x6f: {  	_ =	shalt  }
0x70: {  	_ =	shalt  }
0x71: {  	_ =	shalt  }
0x72: {  	_ =	shalt  }
0x73: {  	_ =	shalt  }
0x74: {  	_ =	shalt  }
0x75: {  	_ =	shalt  }
0x76: {  	_ =	shalt  }
0x77: {  	_ =	shalt  }
0x78: {  	_ =	shalt  }
0x79: {  	_ =	shalt  }
0x7a: {  	_ =	shalt  }
0x7b: {  	_ =	shalt  }
0x7c: {  	_ =	shalt  }
0x7d: {  	_ =	shalt  }
0x7e: {  	_ =	shalt  }
0x7f: {  	_ =	shalt  }
0x80: {  	_ =	shalt  }
0x81: {  	_ =	shalt  }
0x82: {  	_ =	shalt  }
0x83: {  	_ =	shalt  }
0x84: {  	_ =	shalt  }
0x85: {  	_ =	shalt  }
0x86: {  	_ =	shalt  }
0x87: {  	_ =	shalt  }
.Lfunc_end0:
.L_simem_size_0:
called_computation.1_lowered:
.L_overlay_start_0:
0x88: {  	s2 =	sld [smem:$0x3FD9]  }
0x89: {  	s3 =	sld [smem:$0x3FFE];
	_ =	sdelay $0x1  }
0x8a: {  	s1 =	srdreg.scid  }
0x8b: {  	s0 =	sand.u32 $0x1, s1  }
0x8c: {  	s17 =	sshll.u32 s0, $0xA;
	s2 =	sadd.s32 s3, s2  }
0x8d: {  	s2 =	sadd.s32 s2, s17  }
0x8e: {  	[smem:$0x3FC6] =	sst s2  }
0x8f: {  	_ = 	snop  }
0x90: {  	s2 =	sld [smem:$0x3FC9]  }
0x91: {  	s18 =	sld [smem:$0x3FD0];
	(tm) =	ssettm $0x1  }
0x92: {  	s4 =	sld [smem:$0x3FFB];
	_ =	sdelay $0x3  }
0x93: {  	_ =	strace s4  }
0x94: {  	s4 =	sld [smem:$0x3FFC];
	_ =	sdelay $0x3  }
0x95: {  	_ =	strace s4  }
0x96: {  	s4 =	sld [smem:$0x3FFD];
	_ =	sdelay $0x3  }
0x97: {  	_ =	strace s4  }
0x98: {  	_ =	strace $0x8FFFFFFF  }
0x99: {  	s19 =	sld [smem:$0x3FDB];
	_ =	sdelay $0x1  }
0x9a: {  	s5 =	simm.s32 $_scs_section_size  }
0x9b: {  	s6 =	simm.s32 $_size__tile_overlayer_lowered;
	s7 =	simm.s32 $_tile_overlayer_lowered  }
0x9c: {  	s22 =	simm.s32 $0x1BFF;
	s21 =	sshll.u32 s7, $0x1;
	s4 =	sadd.s32 s5, s19  }
0x9d: {  	s8 =	simm.s32 $0x0;
	s20 =	sshll.u32 s6, $0x1;
	s6 =	sadd.s32 s21, s4  }
0x9e: {  	[timem:s8], [sflag:s22] =	dma.local [hbm:s6], s20  }
0x9f: {  	_ =	swait.ge [sflag:s22], s20  }
0xa0: {  	s5 =	ssub.s32 $0x0, s20;
	[sflag:s22] =	ssyncset.done $0x0  }
0xa1: {  	[sflag:s22] =	ssyncadd.s32 s5;
	_ =	sdelay $0x1  }
0xa2: {  	s23 =	simm.s32 $0x1B8B  }
0xa3: {  	_ =	swait.ge [sflag:s23], $0x1  }
0xa4: {  	[sflag:s23] =	ssyncset.done $0x0  }
0xa5: {  	s25 =	simm.s32 $0x1B8E;
	s24 =	sld [smem:$0x3FFE];
	[sflag:s23] =	ssyncadd.s32 $0xFFFFFFFF  }
0xa6: {  	s26 =	simm.s32 $execute0_lowered;
	[smem:$0x3FD2] =	sst s25  }
0xa7: {  	s6 =	sshll.u32 s26, $0x1;
	_ =	strace $0x80000046;
	[dreg:$0x1] =	wrdreg $0xFFFFFFFF  }
0xa8: {  	s28 =	simm.s32 $_size_execute0_lowered;
	s4 =	sadd.s32 s4, s6;
	[dreg:$0x0] =	wrdreg $0x0  }
0xa9: {  	s6 =	sshll.u32 s28, $0x1;
	[dreg:$0x2] =	wrdreg s4  }
0xaa: {  	[dreg:$0x3] =	wrdreg s6  }
0xab: {  	[dreg:$0x4] =	wrdreg $0xC0  }
0xac: {  	_ =	task [dreg:s8], $0x5FFFF  }
0xad: {  	[dreg:$0x1] =	wrdreg $0xFFFFFFFF  }
0xae: {  	[dreg:$0x0] =	wrdreg $0x60  }
0xaf: {  	[dreg:$0x2] =	wrdreg s2  }
0xb0: {  	[dreg:$0x3] =	wrdreg s18  }
0xb1: {  	[dreg:$0x4] =	wrdreg s24  }
0xb2: {  	[dreg:$0x5] =	wrdreg $0x9  }
0xb3: {  	_ =	task.clear_ibuf [dreg:s8], $0x6FFFF;
	_ =	strace $0x90000046  }
0xb4: {  	s29 =	simm.s32 $0x9;
	_ =	strace $0x80000048  }
0xb5: {  	_ =	swait.ge [sflag:s29], $0x1  }
0xb6: {  	[sflag:s29] =	ssyncadd.s32 $0xFFFFFFFF  }
0xb7: {  	_ =	strace $0x90000048  }
0xb8: {  	_ =	sfence  }
0xb9: {  	s30 =	sld [smem:$0x0];
	_ =	sdelay $0x2  }
0xba: {  	s31 =	sshll.u32 s1, $0xD;
	s1 =	sshrl.u32 s1, $0x2  }
0xbb: {  	s3 =	sand.u32 $0x4000, s31;
	s1 =	sadd.s32 s1, s30  }
0xbc: {  	s0 =	sor.u32 s3, s0;
	s1 =	sshll.u32 s1, $0x11  }
0xbd: {  	s0 =	sor.u32 s1, s0  }
0xbe: {  	s0 =	sadd.s32 $0x8F2B, s0  }
0xbf: {  	[sflag:s0] =	ssyncadd.remote.s32 $0x1  }
0xc0: {  	_ =	sfence.sel $0xFFFF  }
0xc1: {  	[dreg:$0x0] =	wrdreg $0xFFFFFFFF;
	(pc) =	sbr.abs _section_cstart, $3  }
0xc2: {  	[dreg:$0x1] =	wrdreg $0xFFFFFFFF  }
0xc3: {  	_ =	task.clear_ibuf [dreg:s8], $0x2FFFF;
	_ =	strace $0x9FFFFFFF  }
0xc4: {  	(tm) =	ssettm $0x7FFFFFFF  }
0xc5: {  	_ =	shalt  }
tec
execute0_lowered:
.L_overlay_start_1:
0x0: {  	(tag) =	ssettag $0x1  }
0x1: {  	s0 =	rddreg [dreg:$0x0]  }
0x2: {  	s1 =	rddreg [dreg:$0x2];
	s3 =	simm.s32 $0x0  }
0x3: {  	s2 =	srdreg.scid;
	s4 =	stileid.u32;
	s23 =	simm.s32 $0x2000  }
0x4: {  	s24 =	simm.s32 $0x2;
	s25 =	simm.s32 $0x1;
	[smem:$0x7FF] =	sst s3  }
0x5: {  	s2 =	sand.u32 $0x1, s2;
	s6 =	sshll.u32 s4, $0x1;
	s28 =	sadd.s32 $0x800, s1  }
0x6: {  	s8 =	sadd.s32 $0x830, s1;
	s9 =	sadd.s32 $0x850, s1;
	s10 =	sadd.s32 $0x870, s1  }
0x7: {  	s30 =	sadd.s32 $0x810, s1;
	s11 =	sadd.s32 $0x100800, s1;
	s13 =	sadd.s32 $0x100810, s1  }
0x8: {  	s12 =	sadd.s32 $0x820, s1;
	s14 =	sadd.s32 $0x100820, s1;
	s16 =	sadd.s32 $0x100830, s1  }
0x9: {  	s15 =	sadd.s32 $0x840, s1;
	s17 =	sadd.s32 $0x100840, s1;
	s18 =	sadd.s32 $0x860, s1  }
0xa: {  	s19 =	sadd.s32 $0x100850, s1;
	_ =	strace $0x80000047;
	[dreg:$0x4] =	wrdreg s28  }
0xb: {  	s5 =	ssub.s32 $0x2, s2;
	s2 =	sor.u32 s2, s6;
	[dreg:$0x7] =	wrdreg s30  }
0xc: {  	s7 =	sshrl.u32 s5, $0x1;
	s29 =	sshll.u32 s2, $0xF;
	s2 =	sshll.u32 s2, $0xC  }
0xd: {  	s22 =	ssub.s32 s5, s7;
	[dreg:$0x5] =	wrdreg s29;
	s0 =	sadd.s32 s0, s2  }
0xe: {  	s20 =	sadd.s32 $0x100860, s1;
	[dreg:$0x6] =	wrdreg s0;
	s31 =	smax.u32 s22, $0x1  }
0xf: {  	s21 =	sadd.s32 $0x100870, s1;
	s1 =	simm.s32 $0x0;
	[dreg:$0x8] =	wrdreg s31  }
.LBB2_1:
0x10: {  	[dreg:$0x9] =	wrdreg s1  }
0x11: {  	s0 =	rddreg [dreg:$0x1]  }
0x12: {  	[tilespmem:s23], [sflag:$0x2] =	stream.linear.gather [hbm4b:s0+s3], $0x200, $0x38;
	[tilespmem:$0x12200] =	vst v63  }
0x13: {  	_ =	swait.ge [sflag:s24], $0x200  }
0x14: {  	[sflag:s24] =	ssyncset.done $0x0  }
0x15: {  	s28 =	simm.s32 $0x0;
	[sflag:s24] =	ssyncadd.s32 $0xFFFFFE00  }
.LBB2_2:
0x16: {  	s0 =	sshll.u32 s28, $0xA;
	s1 =	rddreg [dreg:$0x6]  }
0x17: {  	s29 =	simm.s32 $0x0;
	s0 =	sadd.s32 s0, s1  }
0x18: {  	[tilespmem:s29], [sflag:$0x2] =	stream.linear.gather [hbm4b:s0+s29], $0x2000, $0x38;
	[tilespmem:$0x12200] =	vst v63  }
0x19: {  	s26 =	sand.u32 $0x1C00, s29;
	s30 =	sand.u32 $0x380, s29;
	_ =	swait.ge [sflag:s24], $0x2000  }
0x1a: {  	s2 =	sand.u32 $0x70, s29;
	s0 =	sor.u32 s30, s26;
	[sflag:s24] =	ssyncset.done $0x0  }
0x1b: {  	s0 =	sor.u32 s2, s0;
	[sflag:s24] =	ssyncadd.s32 $0xFFFFE000  }
0x1c: {  	v0 =	vld [tilespmem:s0+$0x0];
	_ =	sdelay $0x4  }
0x1d: {  	v0 =	vshll.u32 v0, $0x4  }
0x1e: {  	v1 =	vor.u32 $0x5, v0  }
0x1f: {  	v2 =	vor.u32 $0x4, v0  }
0x20: {  	v4 =	vor.u32 $0x7, v0  }
0x21: {  	v6 =	vor.u32 $0x2, v0  }
0x22: {  	v7 =	vor.u32 $0x3, v0;
	v5 =	vld.idx.msk [tilespmem:v0+s23+$0x0], $0xffff  }
0x23: {  	v8 =	vor.u32 $0x1, v0;
	v1 =	vld.idx.msk [tilespmem:v1+s23+$0x0], $0xffff  }
0x24: {  	v9 =	vor.u32 $0x6, v0;
	v3 =	vld.idx.msk [tilespmem:v2+s23+$0x0], $0xffff  }
0x25: {  	v0 =	vld.idx.msk [tilespmem:v4+s23+$0x0], $0xffff  }
0x26: {  	v6 =	vld.idx.msk [tilespmem:v6+s23+$0x0], $0xffff  }
0x27: {  	s31 =	sand.u32 $0x7, s29;
	s22 =	sand.u32 $0xFC00, s29;
	v4 =	vld.idx.msk [tilespmem:v7+s23+$0x0], $0xffff  }
0x28: {  	s1 =	simm.s32 $0x2;
	s26 =	sor.u32 s2, s22;
	s0 =	sshll.u32 s31, $0x4;
	v2 =	vld.idx.msk [tilespmem:v8+s23+$0x0], $0xffff  }
0x29: {  	s22 =	simm.s32 $0x0;
	s2 =	simm.s32 $0x0;
	s0 =	sadd.s32 $0x0, s0;
	v7 =	vld.idx.msk [tilespmem:v9+s23+$0x0], $0xffff  }
.LBB2_3:
0x2a: {  	s29 =	sadd.s32 $0x10, s29  }
0x2b: {  	[tilespmem:s26+$0x2200] =	vst v5;
	s2 =	sadd.s32 $0x80, s2;
	s22 =	sadd.s32 $0x1, s22;
	s30 =	smov.u32 s1  }
0x2c: {  	p0 =	sne.s32 s1, $0x3FE;
	s1 =	sadd.s32 $0x2, s1;
	s31 =	sand.u32 $0x7, s22;
	[tilespmem:s26+$0x2400] =	vst v3  }
0x2d: {  	s31 =	sshll.u32 s31, $0x4;
	[tilespmem:s26+$0x2300] =	vst v6  }
0x2e: {  	s31 =	sadd.s32 s31, s2;
	[tilespmem:s26+$0x2480] =	vst v1  }
0x2f: {  	[tilespmem:s26+$0x2380] =	vst v4  }
0x30: {  	s5 =	sor.u32 $0x380, s0;
	s4 =	sand.u32 $0x1C00, s2;
	s30 =	sand.u32 $0x380, s30;
	[tilespmem:s26+$0x2500] =	vst v7  }
0x31: {  	s6 =	sand.u32 $0x70, s29;
	s4 =	sor.u32 s30, s4;
	s0 =	smov.u32 s31;
	[tilespmem:s26+$0x2280] =	vst v2  }
0x32: {  	s4 =	sor.u32 s6, s4;
	[tilespmem:s5+$0x2200] =	vst v0  }
0x33: {  	v0 =	vld [tilespmem:s4+$0x0];
	_ =	sdelay $0x4  }
0x34: {  	v0 =	vshll.u32 v0, $0x4  }
0x35: {  	v2 =	vor.u32 $0x3, v0;
	v3 =	vor.u32 $0x4, v0;
	v1 =	vor.u32 $0x5, v0  }
0x36: {  	v7 =	vor.u32 $0x1, v0;
	v4 =	vor.u32 $0x2, v0;
	v8 =	vor.u32 $0x6, v0  }
0x37: {  	v6 =	vor.u32 $0x7, v0;
	_ =	sdelay $0x1  }
0x38: {  	v5 =	vld.idx.msk [tilespmem:v0+s23+$0x0], $0xffff  }
0x39: {  	v1 =	vld.idx.msk [tilespmem:v1+s23+$0x0], $0xffff  }
0x3a: {  	v3 =	vld.idx.msk [tilespmem:v3+s23+$0x0], $0xffff  }
.Ltmp0:
0x3b: {  	v0 =	vld.idx.msk [tilespmem:v6+s23+$0x0], $0xffff;
	(pc) =	sbr.rel @p0 .LBB2_3-.Ltmp0, $4  }
0x3c: {  	v6 =	vld.idx.msk [tilespmem:v4+s23+$0x0], $0xffff  }
0x3d: {  	v4 =	vld.idx.msk [tilespmem:v2+s23+$0x0], $0xffff  }
0x3e: {  	s4 =	sand.u32 $0xFC00, s2;
	v2 =	vld.idx.msk [tilespmem:v7+s23+$0x0], $0xffff  }
0x3f: {  	s26 =	sor.u32 s6, s4;
	v7 =	vld.idx.msk [tilespmem:v8+s23+$0x0], $0xffff  }
0x40: {  	[tilespmem:s26+$0x2200] =	vst v5  }
0x41: {  	[tilespmem:s26+$0x2400] =	vst v3  }
0x42: {  	[tilespmem:s26+$0x2480] =	vst v1  }
0x43: {  	[tilespmem:s26+$0x2300] =	vst v6  }
0x44: {  	s1 =	sshll.u32 s28, $0xD;
	s2 =	rddreg [dreg:$0x5];
	[tilespmem:s26+$0x2380] =	vst v4  }
0x45: {  	s31 =	rddreg [dreg:$0x4];
	s29 =	sadd.s32 s2, s1;
	[tilespmem:s26+$0x2280] =	vst v2  }
0x46: {  	s30 =	sor.u32 $0x380, s0;
	s22 =	simm.s32 $0x2600;
	s0 =	sadd.s32 s31, s29;
	[tilespmem:s26+$0x2500] =	vst v7  }
0x47: {  	s1 =	simm.s32 $0x2200;
	s2 =	simm.s32 $0x80;
	s26 =	sadd.s32 $0x0, s0;
	[tilespmem:s30+$0x2200] =	vst v0  }
.LBB2_5:
0x48: {  	[hbm4b:s26+s3] =	stream.linear.scatter [tilespmem:s1], [sflag:$0x1], $0x80, $0x38;
	[tilespmem:$0x12200] =	vst v63  }
0x49: {  	s4 =	smov.u32 s2;
	s1 =	smov.u32 s22;
	p0 =	sne.s32 s2, $0x1F80  }
.Ltmp1:
0x4a: {  	s2 =	sadd.s32 $0x80, s2;
	(pc) =	sbr.rel @p0 .LBB2_5-.Ltmp1, $2  }
0x4b: {  	_ =	sdelay $0x2  }
0x4c: {  	s22 =	sadd.s32 $0x400, s22;
	s26 =	sadd.s32 s4, s0  }
0x4d: {  	[hbm4b:s26+s3] =	stream.linear.scatter [tilespmem:s1], [sflag:$0x1], $0x80, $0x38;
	[tilespmem:$0x12200] =	vst v63  }
0x4e: {  	s0 =	rddreg [dreg:$0x7]  }
0x4f: {  	s1 =	simm.s32 $0x2280;
	s0 =	sadd.s32 s29, s0  }
0x50: {  	s2 =	simm.s32 $0x80;
	s22 =	simm.s32 $0x2680;
	s26 =	sadd.s32 $0x0, s0  }
.LBB2_7:
0x51: {  	[hbm4b:s26+s3] =	stream.linear.scatter [tilespmem:s1], [sflag:$0x1], $0x80, $0x38;
	[tilespmem:$0x12200] =	vst v63  }
0x52: {  	s4 =	smov.u32 s2;
	s1 =	smov.u32 s22;
	p0 =	sne.s32 s2, $0x1F80  }
.Ltmp2:
0x53: {  	s2 =	sadd.s32 $0x80, s2;
	(pc) =	sbr.rel @p0 .LBB2_7-.Ltmp2, $2  }
0x54: {  	_ =	sdelay $0x2  }
0x55: {  	s22 =	sadd.s32 $0x400, s22;
	s26 =	sadd.s32 s4, s0  }
0x56: {  	[hbm4b:s26+s3] =	stream.linear.scatter [tilespmem:s1], [sflag:$0x1], $0x80, $0x38;
	[tilespmem:$0x12200] =	vst v63  }
0x57: {  	s0 =	sadd.s32 s29, s12;
	s1 =	simm.s32 $0x2300  }
0x58: {  	s2 =	simm.s32 $0x80;
	s22 =	simm.s32 $0x2700;
	s26 =	sadd.s32 $0x0, s0  }
.LBB2_9:
0x59: {  	[hbm4b:s26+s3] =	stream.linear.scatter [tilespmem:s1], [sflag:$0x1], $0x80, $0x38;
	[tilespmem:$0x12200] =	vst v63  }
0x5a: {  	s4 =	smov.u32 s2;
	s1 =	smov.u32 s22;
	p0 =	sne.s32 s2, $0x1F80  }
.Ltmp3:
0x5b: {  	s2 =	sadd.s32 $0x80, s2;
	(pc) =	sbr.rel @p0 .LBB2_9-.Ltmp3, $2  }
0x5c: {  	_ =	sdelay $0x2  }
0x5d: {  	s22 =	sadd.s32 $0x400, s22;
	s26 =	sadd.s32 s4, s0  }
0x5e: {  	[hbm4b:s26+s3] =	stream.linear.scatter [tilespmem:s1], [sflag:$0x1], $0x80, $0x38;
	[tilespmem:$0x12200] =	vst v63  }
0x5f: {  	s0 =	sadd.s32 s29, s8;
	s1 =	simm.s32 $0x2380  }
0x60: {  	s2 =	simm.s32 $0x80;
	s22 =	simm.s32 $0x2780;
	s26 =	sadd.s32 $0x0, s0  }
.LBB2_11:
0x61: {  	[hbm4b:s26+s3] =	stream.linear.scatter [tilespmem:s1], [sflag:$0x1], $0x80, $0x38;
	[tilespmem:$0x12200] =	vst v63  }
0x62: {  	s4 =	smov.u32 s2;
	s1 =	smov.u32 s22;
	p0 =	sne.s32 s2, $0x1F80  }
.Ltmp4:
0x63: {  	s2 =	sadd.s32 $0x80, s2;
	(pc) =	sbr.rel @p0 .LBB2_11-.Ltmp4, $2  }
0x64: {  	_ =	sdelay $0x2  }
0x65: {  	s22 =	sadd.s32 $0x400, s22;
	s26 =	sadd.s32 s4, s0  }
0x66: {  	[hbm4b:s26+s3] =	stream.linear.scatter [tilespmem:s1], [sflag:$0x1], $0x80, $0x38;
	[tilespmem:$0x12200] =	vst v63  }
0x67: {  	s0 =	sadd.s32 s29, s15;
	s1 =	simm.s32 $0x2400  }
0x68: {  	s2 =	simm.s32 $0x80;
	s22 =	simm.s32 $0x2800;
	s26 =	sadd.s32 $0x0, s0  }
.LBB2_13:
0x69: {  	[hbm4b:s26+s3] =	stream.linear.scatter [tilespmem:s1], [sflag:$0x1], $0x80, $0x38;
	[tilespmem:$0x12200] =	vst v63  }
0x6a: {  	s4 =	smov.u32 s2;
	s1 =	smov.u32 s22;
	p0 =	sne.s32 s2, $0x1F80  }
.Ltmp5:
0x6b: {  	s2 =	sadd.s32 $0x80, s2;
	(pc) =	sbr.rel @p0 .LBB2_13-.Ltmp5, $2  }
0x6c: {  	_ =	sdelay $0x2  }
0x6d: {  	s22 =	sadd.s32 $0x400, s22;
	s26 =	sadd.s32 s4, s0  }
0x6e: {  	[hbm4b:s26+s3] =	stream.linear.scatter [tilespmem:s1], [sflag:$0x1], $0x80, $0x38;
	[tilespmem:$0x12200] =	vst v63  }
0x6f: {  	s0 =	sadd.s32 s29, s9;
	s1 =	simm.s32 $0x2480  }
0x70: {  	s2 =	simm.s32 $0x80;
	s22 =	simm.s32 $0x2880;
	s26 =	sadd.s32 $0x0, s0  }
.LBB2_15:
0x71: {  	[hbm4b:s26+s3] =	stream.linear.scatter [tilespmem:s1], [sflag:$0x1], $0x80, $0x38;
	[tilespmem:$0x12200] =	vst v63  }
0x72: {  	s4 =	smov.u32 s2;
	s1 =	smov.u32 s22;
	p0 =	sne.s32 s2, $0x1F80  }
.Ltmp6:
0x73: {  	s2 =	sadd.s32 $0x80, s2;
	(pc) =	sbr.rel @p0 .LBB2_15-.Ltmp6, $2  }
0x74: {  	_ =	sdelay $0x2  }
0x75: {  	s22 =	sadd.s32 $0x400, s22;
	s26 =	sadd.s32 s4, s0  }
0x76: {  	[hbm4b:s26+s3] =	stream.linear.scatter [tilespmem:s1], [sflag:$0x1], $0x80, $0x38;
	[tilespmem:$0x12200] =	vst v63  }
0x77: {  	s0 =	sadd.s32 s29, s18;
	s1 =	simm.s32 $0x2500  }
0x78: {  	s2 =	simm.s32 $0x80;
	s22 =	simm.s32 $0x2900;
	s26 =	sadd.s32 $0x0, s0  }
.LBB2_17:
0x79: {  	[hbm4b:s26+s3] =	stream.linear.scatter [tilespmem:s1], [sflag:$0x1], $0x80, $0x38;
	[tilespmem:$0x12200] =	vst v63  }
0x7a: {  	s4 =	smov.u32 s2;
	s1 =	smov.u32 s22;
	p0 =	sne.s32 s2, $0x1F80  }
.Ltmp7:
0x7b: {  	s2 =	sadd.s32 $0x80, s2;
	(pc) =	sbr.rel @p0 .LBB2_17-.Ltmp7, $2  }
0x7c: {  	_ =	sdelay $0x2  }
0x7d: {  	s22 =	sadd.s32 $0x400, s22;
	s26 =	sadd.s32 s4, s0  }
0x7e: {  	[hbm4b:s26+s3] =	stream.linear.scatter [tilespmem:s1], [sflag:$0x1], $0x80, $0x38;
	[tilespmem:$0x12200] =	vst v63  }
0x7f: {  	s0 =	sadd.s32 s29, s10;
	s1 =	simm.s32 $0x2580  }
0x80: {  	s2 =	simm.s32 $0x80;
	s22 =	simm.s32 $0x2980;
	s26 =	sadd.s32 $0x0, s0  }
.LBB2_19:
0x81: {  	[hbm4b:s26+s3] =	stream.linear.scatter [tilespmem:s1], [sflag:$0x1], $0x80, $0x38;
	[tilespmem:$0x12200] =	vst v63  }
0x82: {  	s4 =	smov.u32 s2;
	s1 =	smov.u32 s22;
	p0 =	sne.s32 s2, $0x1F80  }
.Ltmp8:
0x83: {  	s2 =	sadd.s32 $0x80, s2;
	(pc) =	sbr.rel @p0 .LBB2_19-.Ltmp8, $2  }
0x84: {  	_ =	sdelay $0x2  }
0x85: {  	s22 =	sadd.s32 $0x400, s22;
	s26 =	sadd.s32 s4, s0  }
0x86: {  	[hbm4b:s26+s3] =	stream.linear.scatter [tilespmem:s1], [sflag:$0x1], $0x80, $0x38;
	[tilespmem:$0x12200] =	vst v63  }
0x87: {  	_ =	swait.ge [sflag:s25], $0x2000  }
0x88: {  	[sflag:s25] =	ssyncset.done $0x0  }
0x89: {  	[sflag:s25] =	ssyncadd.s32 $0xFFFFE000  }
0x8a: {  	_ =	swait.ge [sflag:s25], $0x2000  }
0x8b: {  	[sflag:s25] =	ssyncset.done $0x0  }
0x8c: {  	[sflag:s25] =	ssyncadd.s32 $0xFFFFE000  }
0x8d: {  	_ =	swait.ge [sflag:s25], $0x2000  }
0x8e: {  	[sflag:s25] =	ssyncset.done $0x0  }
0x8f: {  	[sflag:s25] =	ssyncadd.s32 $0xFFFFE000  }
0x90: {  	_ =	swait.ge [sflag:s25], $0x2000  }
0x91: {  	[sflag:s25] =	ssyncset.done $0x0  }
0x92: {  	[sflag:s25] =	ssyncadd.s32 $0xFFFFE000  }
0x93: {  	_ =	swait.ge [sflag:s25], $0x2000  }
0x94: {  	[sflag:s25] =	ssyncset.done $0x0  }
0x95: {  	[sflag:s25] =	ssyncadd.s32 $0xFFFFE000  }
0x96: {  	_ =	swait.ge [sflag:s25], $0x2000  }
0x97: {  	[sflag:s25] =	ssyncset.done $0x0  }
0x98: {  	[sflag:s25] =	ssyncadd.s32 $0xFFFFE000  }
0x99: {  	_ =	swait.ge [sflag:s25], $0x2000  }
0x9a: {  	[sflag:s25] =	ssyncset.done $0x0  }
0x9b: {  	s0 =	simm.s32 $0x0;
	[sflag:s25] =	ssyncadd.s32 $0xFFFFE000  }
0x9c: {  	s22 =	sand.u32 $0x1C00, s0;
	s2 =	sand.u32 $0x380, s0;
	_ =	swait.ge [sflag:s25], $0x2000  }
0x9d: {  	s31 =	sand.u32 $0x70, s0;
	s1 =	sor.u32 s2, s22;
	[sflag:s25] =	ssyncset.done $0x0  }
0x9e: {  	s1 =	sor.u32 s31, s1;
	[sflag:s25] =	ssyncadd.s32 $0xFFFFE000  }
0x9f: {  	v0 =	vld [tilespmem:s1+$0x0];
	_ =	sdelay $0x4  }
0xa0: {  	v1 =	vshll.u32 v0, $0x4  }
0xa1: {  	s26 =	sand.u32 $0x7, s0;
	v6 =	vor.u32 $0xE, v1  }
0xa2: {  	s2 =	simm.s32 $0x2;
	s22 =	simm.s32 $0x0;
	s1 =	sshll.u32 s26, $0x4;
	v0 =	vor.u32 $0x9, v1;
	v5 =	vor.u32 $0x8, v1  }
0xa3: {  	s26 =	simm.s32 $0x0;
	s30 =	sadd.s32 $0x0, s1;
	s1 =	simm.s32 $0x0;
	v2 =	vor.u32 $0xB, v1;
	v3 =	vor.u32 $0xD, v1;
	v4 =	vor.u32 $0xA, v1  }
.LBB2_21:
0xa4: {  	s0 =	sadd.s32 $0x10, s0  }
0xa5: {  	s22 =	sadd.s32 $0x80, s22;
	s26 =	sadd.s32 $0x1, s26;
	s4 =	smov.u32 s2  }
0xa6: {  	p0 =	sne.s32 s2, $0x3FE;
	s2 =	sadd.s32 $0x2, s2;
	v7 =	vor.u32 $0xC, v1;
	s5 =	sand.u32 $0x7, s26;
	v6 =	vld.idx.msk [tilespmem:v6+s23+$0x0], $0xffff  }
0xa7: {  	v1 =	vor.u32 $0xF, v1;
	s5 =	sshll.u32 s5, $0x4;
	v5 =	vld.idx.msk [tilespmem:v5+s23+$0x0], $0xffff  }
0xa8: {  	s5 =	sadd.s32 s5, s22;
	v2 =	vld.idx.msk [tilespmem:v2+s23+$0x0], $0xffff  }
0xa9: {  	v3 =	vld.idx.msk [tilespmem:v3+s23+$0x0], $0xffff  }
0xaa: {  	v4 =	vld.idx.msk [tilespmem:v4+s23+$0x0], $0xffff  }
0xab: {  	s6 =	sand.u32 $0x1C00, s22;
	s4 =	sand.u32 $0x380, s4;
	v0 =	vld.idx.msk [tilespmem:v0+s23+$0x0], $0xffff  }
0xac: {  	s1 =	sand.u32 $0xFC00, s1;
	s7 =	sand.u32 $0x70, s0;
	s4 =	sor.u32 s4, s6;
	v7 =	vld.idx.msk [tilespmem:v7+s23+$0x0], $0xffff  }
0xad: {  	s6 =	sor.u32 s31, s1;
	s1 =	smov.u32 s22;
	s4 =	sor.u32 s7, s4;
	v1 =	vld.idx.msk [tilespmem:v1+s23+$0x0], $0xffff  }
0xae: {  	s31 =	smov.u32 s7;
	[tilespmem:s6+$0x2380] =	vst v2  }
0xaf: {  	[tilespmem:s6+$0x2480] =	vst v3  }
0xb0: {  	[tilespmem:s6+$0x2300] =	vst v4  }
0xb1: {  	[tilespmem:s6+$0x2200] =	vst v5  }
0xb2: {  	[tilespmem:s6+$0x2400] =	vst v7  }
0xb3: {  	[tilespmem:s6+$0x2500] =	vst v6  }
0xb4: {  	[tilespmem:s6+$0x2280] =	vst v0;
	s6 =	sor.u32 $0x380, s30;
	s30 =	smov.u32 s5  }
0xb5: {  	[tilespmem:s6+$0x2200] =	vst v1  }
0xb6: {  	v0 =	vld [tilespmem:s4+$0x0];
	_ =	sdelay $0x4  }
.Ltmp9:
0xb7: {  	v1 =	vshll.u32 v0, $0x4;
	(pc) =	sbr.rel @p0 .LBB2_21-.Ltmp9, $3  }
0xb8: {  	v0 =	vor.u32 $0x9, v1;
	v2 =	vor.u32 $0xB, v1;
	v6 =	vor.u32 $0xE, v1  }
0xb9: {  	v5 =	vor.u32 $0x8, v1;
	v3 =	vor.u32 $0xD, v1;
	_ =	sdelay $0x1  }
0xba: {  	v4 =	vor.u32 $0xA, v1  }
0xbb: {  	_ =	sdelay $0x3  }
0xbc: {  	v6 =	vld.idx.msk [tilespmem:v6+s23+$0x0], $0xffff  }
0xbd: {  	v7 =	vor.u32 $0xC, v1;
	v5 =	vld.idx.msk [tilespmem:v5+s23+$0x0], $0xffff  }
0xbe: {  	v63 =	vor.u32 $0xF, v1;
	v2 =	vld.idx.msk [tilespmem:v2+s23+$0x0], $0xffff  }
0xbf: {  	v3 =	vld.idx.msk [tilespmem:v3+s23+$0x0], $0xffff  }
0xc0: {  	v4 =	vld.idx.msk [tilespmem:v4+s23+$0x0], $0xffff  }
0xc1: {  	v0 =	vld.idx.msk [tilespmem:v0+s23+$0x0], $0xffff;
	s0 =	sand.u32 $0xFC00, s1  }
0xc2: {  	s0 =	sor.u32 s31, s0;
	v7 =	vld.idx.msk [tilespmem:v7+s23+$0x0], $0xffff  }
0xc3: {  	v1 =	vld.idx.msk [tilespmem:v63+s23+$0x0], $0xffff;
	[tilespmem:s0+$0x2380] =	vst v2  }
0xc4: {  	[tilespmem:s0+$0x2480] =	vst v3  }
0xc5: {  	[tilespmem:s0+$0x2300] =	vst v4  }
0xc6: {  	[tilespmem:s0+$0x2200] =	vst v5  }
0xc7: {  	[tilespmem:s0+$0x2500] =	vst v6  }
0xc8: {  	[tilespmem:s0+$0x2280] =	vst v0  }
0xc9: {  	s2 =	sor.u32 $0x380, s30;
	s1 =	simm.s32 $0x2200;
	[tilespmem:s0+$0x2400] =	vst v7;
	s0 =	sadd.s32 s29, s11  }
0xca: {  	s22 =	simm.s32 $0x2600;
	[tilespmem:s2+$0x2200] =	vst v1;
	s2 =	simm.s32 $0x80;
	s26 =	sadd.s32 $0x0, s0  }
.LBB2_23:
0xcb: {  	[hbm4b:s26+s3] =	stream.linear.scatter [tilespmem:s1], [sflag:$0x1], $0x80, $0x38;
	[tilespmem:$0x12200] =	vst v63  }
0xcc: {  	s4 =	smov.u32 s2;
	s1 =	smov.u32 s22;
	p0 =	sne.s32 s2, $0x1F80  }
.Ltmp10:
0xcd: {  	s2 =	sadd.s32 $0x80, s2;
	(pc) =	sbr.rel @p0 .LBB2_23-.Ltmp10, $2  }
0xce: {  	_ =	sdelay $0x2  }
0xcf: {  	s22 =	sadd.s32 $0x400, s22;
	s26 =	sadd.s32 s4, s0  }
0xd0: {  	[hbm4b:s26+s3] =	stream.linear.scatter [tilespmem:s1], [sflag:$0x1], $0x80, $0x38;
	[tilespmem:$0x12200] =	vst v63  }
0xd1: {  	s0 =	sadd.s32 s29, s13;
	s1 =	simm.s32 $0x2280  }
0xd2: {  	s2 =	simm.s32 $0x80;
	s22 =	simm.s32 $0x2680;
	s26 =	sadd.s32 $0x0, s0  }
.LBB2_25:
0xd3: {  	[hbm4b:s26+s3] =	stream.linear.scatter [tilespmem:s1], [sflag:$0x1], $0x80, $0x38;
	[tilespmem:$0x12200] =	vst v63  }
0xd4: {  	s4 =	smov.u32 s2;
	s1 =	smov.u32 s22;
	p0 =	sne.s32 s2, $0x1F80  }
.Ltmp11:
0xd5: {  	s2 =	sadd.s32 $0x80, s2;
	(pc) =	sbr.rel @p0 .LBB2_25-.Ltmp11, $2  }
0xd6: {  	_ =	sdelay $0x2  }
0xd7: {  	s22 =	sadd.s32 $0x400, s22;
	s26 =	sadd.s32 s4, s0  }
0xd8: {  	[hbm4b:s26+s3] =	stream.linear.scatter [tilespmem:s1], [sflag:$0x1], $0x80, $0x38;
	[tilespmem:$0x12200] =	vst v63  }
0xd9: {  	s0 =	sadd.s32 s29, s14;
	s1 =	simm.s32 $0x2300  }
0xda: {  	s2 =	simm.s32 $0x80;
	s22 =	simm.s32 $0x2700;
	s26 =	sadd.s32 $0x0, s0  }
.LBB2_27:
0xdb: {  	[hbm4b:s26+s3] =	stream.linear.scatter [tilespmem:s1], [sflag:$0x1], $0x80, $0x38;
	[tilespmem:$0x12200] =	vst v63  }
0xdc: {  	s4 =	smov.u32 s2;
	s1 =	smov.u32 s22;
	p0 =	sne.s32 s2, $0x1F80  }
.Ltmp12:
0xdd: {  	s2 =	sadd.s32 $0x80, s2;
	(pc) =	sbr.rel @p0 .LBB2_27-.Ltmp12, $2  }
0xde: {  	_ =	sdelay $0x2  }
0xdf: {  	s22 =	sadd.s32 $0x400, s22;
	s26 =	sadd.s32 s4, s0  }
0xe0: {  	[hbm4b:s26+s3] =	stream.linear.scatter [tilespmem:s1], [sflag:$0x1], $0x80, $0x38;
	[tilespmem:$0x12200] =	vst v63  }
0xe1: {  	s0 =	sadd.s32 s29, s16;
	s1 =	simm.s32 $0x2380  }
0xe2: {  	s2 =	simm.s32 $0x80;
	s22 =	simm.s32 $0x2780;
	s26 =	sadd.s32 $0x0, s0  }
.LBB2_29:
0xe3: {  	[hbm4b:s26+s3] =	stream.linear.scatter [tilespmem:s1], [sflag:$0x1], $0x80, $0x38;
	[tilespmem:$0x12200] =	vst v63  }
0xe4: {  	s4 =	smov.u32 s2;
	s1 =	smov.u32 s22;
	p0 =	sne.s32 s2, $0x1F80  }
.Ltmp13:
0xe5: {  	s2 =	sadd.s32 $0x80, s2;
	(pc) =	sbr.rel @p0 .LBB2_29-.Ltmp13, $2  }
0xe6: {  	_ =	sdelay $0x2  }
0xe7: {  	s22 =	sadd.s32 $0x400, s22;
	s26 =	sadd.s32 s4, s0  }
0xe8: {  	[hbm4b:s26+s3] =	stream.linear.scatter [tilespmem:s1], [sflag:$0x1], $0x80, $0x38;
	[tilespmem:$0x12200] =	vst v63  }
0xe9: {  	s0 =	sadd.s32 s29, s17;
	s1 =	simm.s32 $0x2400  }
0xea: {  	s2 =	simm.s32 $0x80;
	s22 =	simm.s32 $0x2800;
	s26 =	sadd.s32 $0x0, s0  }
.LBB2_31:
0xeb: {  	[hbm4b:s26+s3] =	stream.linear.scatter [tilespmem:s1], [sflag:$0x1], $0x80, $0x38;
	[tilespmem:$0x12200] =	vst v63  }
0xec: {  	s4 =	smov.u32 s2;
	s1 =	smov.u32 s22;
	p0 =	sne.s32 s2, $0x1F80  }
.Ltmp14:
0xed: {  	s2 =	sadd.s32 $0x80, s2;
	(pc) =	sbr.rel @p0 .LBB2_31-.Ltmp14, $2  }
0xee: {  	_ =	sdelay $0x2  }
0xef: {  	s22 =	sadd.s32 $0x400, s22;
	s26 =	sadd.s32 s4, s0  }
0xf0: {  	[hbm4b:s26+s3] =	stream.linear.scatter [tilespmem:s1], [sflag:$0x1], $0x80, $0x38;
	[tilespmem:$0x12200] =	vst v63  }
0xf1: {  	s0 =	sadd.s32 s29, s19;
	s1 =	simm.s32 $0x2480  }
0xf2: {  	s2 =	simm.s32 $0x80;
	s22 =	simm.s32 $0x2880;
	s26 =	sadd.s32 $0x0, s0  }
.LBB2_33:
0xf3: {  	[hbm4b:s26+s3] =	stream.linear.scatter [tilespmem:s1], [sflag:$0x1], $0x80, $0x38;
	[tilespmem:$0x12200] =	vst v63  }
0xf4: {  	s4 =	smov.u32 s2;
	s1 =	smov.u32 s22;
	p0 =	sne.s32 s2, $0x1F80  }
.Ltmp15:
0xf5: {  	s2 =	sadd.s32 $0x80, s2;
	(pc) =	sbr.rel @p0 .LBB2_33-.Ltmp15, $2  }
0xf6: {  	_ =	sdelay $0x2  }
0xf7: {  	s22 =	sadd.s32 $0x400, s22;
	s26 =	sadd.s32 s4, s0  }
0xf8: {  	[hbm4b:s26+s3] =	stream.linear.scatter [tilespmem:s1], [sflag:$0x1], $0x80, $0x38;
	[tilespmem:$0x12200] =	vst v63  }
0xf9: {  	s0 =	sadd.s32 s29, s20;
	s1 =	simm.s32 $0x2500  }
0xfa: {  	s2 =	simm.s32 $0x80;
	s22 =	simm.s32 $0x2900;
	s26 =	sadd.s32 $0x0, s0  }
.LBB2_35:
0xfb: {  	[hbm4b:s26+s3] =	stream.linear.scatter [tilespmem:s1], [sflag:$0x1], $0x80, $0x38;
	[tilespmem:$0x12200] =	vst v63  }
0xfc: {  	s4 =	smov.u32 s2;
	s1 =	smov.u32 s22;
	p0 =	sne.s32 s2, $0x1F80  }
.Ltmp16:
0xfd: {  	s2 =	sadd.s32 $0x80, s2;
	(pc) =	sbr.rel @p0 .LBB2_35-.Ltmp16, $2  }
0xfe: {  	_ =	sdelay $0x2  }
0xff: {  	s22 =	sadd.s32 $0x400, s22;
	s26 =	sadd.s32 s4, s0  }
0x100: {  	[hbm4b:s26+s3] =	stream.linear.scatter [tilespmem:s1], [sflag:$0x1], $0x80, $0x38;
	[tilespmem:$0x12200] =	vst v63  }
0x101: {  	s0 =	sadd.s32 s29, s21;
	s1 =	simm.s32 $0x2580  }
0x102: {  	s2 =	simm.s32 $0x80;
	s22 =	simm.s32 $0x2980;
	s26 =	sadd.s32 $0x0, s0  }
.LBB2_37:
0x103: {  	[hbm4b:s26+s3] =	stream.linear.scatter [tilespmem:s1], [sflag:$0x1], $0x80, $0x38;
	[tilespmem:$0x12200] =	vst v63  }
0x104: {  	s4 =	smov.u32 s2;
	s1 =	smov.u32 s22;
	p0 =	sne.s32 s2, $0x1F80  }
.Ltmp17:
0x105: {  	s2 =	sadd.s32 $0x80, s2;
	(pc) =	sbr.rel @p0 .LBB2_37-.Ltmp17, $2  }
0x106: {  	_ =	sdelay $0x2  }
0x107: {  	s22 =	sadd.s32 $0x400, s22;
	s26 =	sadd.s32 s4, s0  }
0x108: {  	[hbm4b:s26+s3] =	stream.linear.scatter [tilespmem:s1], [sflag:$0x1], $0x80, $0x38;
	[tilespmem:$0x12200] =	vst v63  }
0x109: {  	_ =	swait.ge [sflag:s25], $0x2000  }
0x10a: {  	[sflag:s25] =	ssyncset.done $0x0  }
0x10b: {  	[sflag:s25] =	ssyncadd.s32 $0xFFFFE000  }
0x10c: {  	_ =	swait.ge [sflag:s25], $0x2000  }
0x10d: {  	[sflag:s25] =	ssyncset.done $0x0  }
0x10e: {  	[sflag:s25] =	ssyncadd.s32 $0xFFFFE000  }
0x10f: {  	_ =	swait.ge [sflag:s25], $0x2000  }
0x110: {  	[sflag:s25] =	ssyncset.done $0x0  }
0x111: {  	[sflag:s25] =	ssyncadd.s32 $0xFFFFE000  }
0x112: {  	_ =	swait.ge [sflag:s25], $0x2000  }
0x113: {  	[sflag:s25] =	ssyncset.done $0x0  }
0x114: {  	[sflag:s25] =	ssyncadd.s32 $0xFFFFE000  }
0x115: {  	_ =	swait.ge [sflag:s25], $0x2000  }
0x116: {  	[sflag:s25] =	ssyncset.done $0x0  }
0x117: {  	[sflag:s25] =	ssyncadd.s32 $0xFFFFE000  }
0x118: {  	_ =	swait.ge [sflag:s25], $0x2000  }
0x119: {  	[sflag:s25] =	ssyncset.done $0x0  }
0x11a: {  	s28 =	sadd.s32 $0x1, s28;
	[sflag:s25] =	ssyncadd.s32 $0xFFFFE000  }
0x11b: {  	p0 =	sne.s32 s28, $0x4;
	_ =	swait.ge [sflag:s25], $0x2000  }
.Ltmp18:
0x11c: {  	[sflag:s25] =	ssyncset.done $0x0;
	(pc) =	sbr.rel @p0 .LBB2_2-.Ltmp18, $4  }
0x11d: {  	[sflag:s25] =	ssyncadd.s32 $0xFFFFE000  }
0x11e: {  	_ =	swait.ge [sflag:s25], $0x2000  }
0x11f: {  	[sflag:s25] =	ssyncset.done $0x0  }
0x120: {  	[sflag:s25] =	ssyncadd.s32 $0xFFFFE000  }
0x121: {  	s1 =	rddreg [dreg:$0x9]  }
0x122: {  	s0 =	rddreg [dreg:$0x8];
	s1 =	sadd.s32 $0x1, s1  }
0x123: {  	p0 =	sne.s32 s1, s0  }
.Ltmp19:
0x124: {  	_ = 	snop;
	(pc) =	sbr.rel @p0 .LBB2_1-.Ltmp19, $1  }
0x125: {  	_ =	sdelay $0x3  }
0x126: {  	_ =	sfence.sel $0x180000  }
0x127: {  	[bflag:$0x0] =	sbarrier.arrive $0xFFFF  }
0x128: {  	_ =	strace $0x90000047  }
0x129: {  	s0 =	stileid.u32;
	[bflag:$0x2] =	sbarrier.arrive $0xFFFF  }
0x12a: {  	p0 =	sne.s32 s0, $0x0;
	s0 =	rddreg [dreg:$0x3]  }
0x12b: {  	s0 =	sadd.s32 @!p0 $0x100000, s0  }
0x12c: {  	[sflag:s0] =	ssyncadd.tile.s32 @!p0 $0x1;
	_ =	shalt  }
.Lfunc_end2:
_tile_overlayer_lowered:
.L_overlay_start_2:
0x12d: {  	(tag) =	ssettag $0x2  }
0x12e: {  	s0 =	rddreg [dreg:$0x0];
	s2 =	stileid.u32  }
0x12f: {  	s1 =	rddreg [dreg:$0x1];
	p0 =	sne.s32 s2, $0x0  }
0x130: {  	s3 =	rddreg [dreg:$0x2];
	[bflag:$0x3] =	sbarrier.arrive $0xFFFF;
	s2 =	simm.s32 @!p0 $0x1C02  }
0x131: {  	[timem:s3], [sflag:s2] =	dma.local @!p0 [hbm:s0], s1  }
0x132: {  	s0 =	simm.s32 @!p0 $0x2  }
0x133: {  	_ =	swait.ge @!p0 [sflag:s0], s1  }
0x134: {  	s1 =	ssub.s32 @!p0 $0x0, s1;
	[sflag:s0] =	ssyncset.done @!p0 $0x0  }
0x135: {  	[sflag:s0] =	ssyncadd.s32 @!p0 s1  }
0x136: {  	[bflag:$0x3] =	sbarrier.arrive $0xFFFF  }
0x137: {  	_ =	shalt  }

// kernel: sparse-core-data-format-call.cloned.1.call-start
scs
called_computation_lowered:
.L_overlay_start_0:
0x0: {  	s2 =	sld [smem:$0x3FD9]  }
0x1: {  	s3 =	sld [smem:$0x3FFE];
	_ =	sdelay $0x1  }
0x2: {  	s1 =	srdreg.scid  }
0x3: {  	s0 =	sand.u32 $0x1, s1  }
0x4: {  	s18 =	sshll.u32 s0, $0xA;
	s2 =	sadd.s32 s3, s2  }
0x5: {  	s2 =	sadd.s32 s2, s18  }
0x6: {  	[smem:$0x3FC6] =	sst s2  }
0x7: {  	_ = 	snop  }
0x8: {  	s2 =	sld [smem:$0x3FD0];
	(tm) =	ssettm $0x1  }
0x9: {  	s19 =	sld [smem:$0x3FFB];
	_ =	sdelay $0x3  }
0xa: {  	_ =	strace s19  }
0xb: {  	s3 =	sld [smem:$0x3FFC];
	_ =	sdelay $0x3  }
0xc: {  	_ =	strace s3  }
0xd: {  	s3 =	sld [smem:$0x3FFD];
	_ =	sdelay $0x3  }
0xe: {  	_ =	strace s3  }
0xf: {  	_ =	strace $0x8FFFFFFF  }
0x10: {  	s20 =	sld [smem:$0x3FDB];
	_ =	sdelay $0x1  }
0x11: {  	s4 =	simm.s32 $_scs_section_size  }
0x12: {  	s5 =	simm.s32 $_size__tile_overlayer_lowered;
	s6 =	simm.s32 $_tile_overlayer_lowered  }
0x13: {  	s23 =	simm.s32 $0x1BFF;
	s22 =	sshll.u32 s6, $0x1;
	s3 =	sadd.s32 s4, s20  }
0x14: {  	s7 =	simm.s32 $0x0;
	s21 =	sshll.u32 s5, $0x1;
	s5 =	sadd.s32 s22, s3  }
0x15: {  	[timem:s7], [sflag:s23] =	dma.local [hbm:s5], s21  }
0x16: {  	_ =	swait.ge [sflag:s23], s21  }
0x17: {  	s4 =	ssub.s32 $0x0, s21;
	[sflag:s23] =	ssyncset.done $0x0  }
0x18: {  	[sflag:s23] =	ssyncadd.s32 s4;
	_ =	sdelay $0x1  }
0x19: {  	s24 =	simm.s32 $0x1B8B  }
0x1a: {  	_ =	swait.ge [sflag:s24], $0x1  }
0x1b: {  	[sflag:s24] =	ssyncset.done $0x0  }
0x1c: {  	s26 =	simm.s32 $0x1B8E;
	s25 =	sld [smem:$0x3FFE];
	[sflag:s24] =	ssyncadd.s32 $0xFFFFFFFF  }
0x1d: {  	s27 =	simm.s32 $execute0_lowered;
	[smem:$0x3FD2] =	sst s26  }
0x1e: {  	s5 =	sshll.u32 s27, $0x1;
	_ =	strace $0x80000049;
	[dreg:$0x1] =	wrdreg $0xFFFFFFFF  }
0x1f: {  	s28 =	simm.s32 $_size_execute0_lowered;
	s3 =	sadd.s32 s3, s5;
	[dreg:$0x0] =	wrdreg $0x0  }
0x20: {  	s5 =	sshll.u32 s28, $0x1;
	[dreg:$0x2] =	wrdreg s3  }
0x21: {  	[dreg:$0x3] =	wrdreg s5  }
0x22: {  	[dreg:$0x4] =	wrdreg $0xC0  }
0x23: {  	_ =	task [dreg:s7], $0x5FFFF  }
0x24: {  	[dreg:$0x1] =	wrdreg $0xFFFFFFFF  }
0x25: {  	[dreg:$0x0] =	wrdreg $0x60  }
0x26: {  	[dreg:$0x2] =	wrdreg s25  }
0x27: {  	[dreg:$0x3] =	wrdreg s2  }
0x28: {  	[dreg:$0x4] =	wrdreg $0x9  }
0x29: {  	_ =	task.clear_ibuf [dreg:s7], $0x5FFFF;
	_ =	strace $0x90000049  }
0x2a: {  	s29 =	simm.s32 $0x9;
	_ =	strace $0x8000004B  }
0x2b: {  	_ =	swait.ge [sflag:s29], $0x1  }
0x2c: {  	[sflag:s29] =	ssyncadd.s32 $0xFFFFFFFF  }
0x2d: {  	_ =	strace $0x9000004B  }
0x2e: {  	_ =	sfence  }
0x2f: {  	s30 =	sld [smem:$0x0];
	_ =	sdelay $0x2  }
0x30: {  	s31 =	sshll.u32 s1, $0xD;
	s1 =	sshrl.u32 s1, $0x2  }
0x31: {  	s3 =	sand.u32 $0x4000, s31;
	s1 =	sadd.s32 s1, s30  }
0x32: {  	s0 =	sor.u32 s3, s0;
	s1 =	sshll.u32 s1, $0x11  }
0x33: {  	s0 =	sor.u32 s1, s0  }
0x34: {  	s0 =	sadd.s32 $0x8F2B, s0  }
0x35: {  	[sflag:s0] =	ssyncadd.remote.s32 $0x1  }
0x36: {  	_ =	sfence.sel $0xFFFF  }
0x37: {  	[dreg:$0x0] =	wrdreg $0xFFFFFFFF;
	(pc) =	sbr.abs _section_cstart, $3  }
0x38: {  	[dreg:$0x1] =	wrdreg $0xFFFFFFFF  }
0x39: {  	_ =	task.clear_ibuf [dreg:s7], $0x2FFFF;
	_ =	strace $0x9FFFFFFF  }
0x3a: {  	(tm) =	ssettm $0x7FFFFFFF  }
0x3b: {  	_ =	shalt  }
tec
execute0_lowered:
.L_overlay_start_1:
0x0: {  	(tag) =	ssettag $0x1  }
0x1: {  	s2 =	stileid.u32  }
0x2: {  	s0 =	srdreg.scid;
	s3 =	rddreg [dreg:$0x0]  }
0x3: {  	s8 =	simm.s32 $0x2;
	s16 =	simm.s32 $0x0;
	s9 =	simm.s32 $0x100000  }
0x4: {  	s10 =	simm.s32 $0x0;
	s1 =	sshll.u32 s2, $0x2;
	s0 =	sshll.u32 s0, $0x6  }
0x5: {  	s17 =	simm.s32 $0x0;
	s19 =	simm.s32 $0x0;
	s0 =	sor.u32 s1, s0  }
0x6: {  	s18 =	simm.s32 $0x0;
	s11 =	simm.s32 $0x0;
	s1 =	sand.u32 $0x78, s0  }
0x7: {  	s12 =	simm.s32 $0x0;
	s2 =	sand.u32 $0x1, s2;
	s0 =	ssub.s32 $0x400, s1  }
0x8: {  	s15 =	simm.s32 $0x0;
	s4 =	ssub.s32 $0x2, s2;
	s5 =	sand.u32 $0x78, s0  }
0x9: {  	s6 =	sshrl.u32 s4, $0x1;
	p0 =	sne.s32 s5, $0x0;
	s5 =	simm.s32 $0x1  }
0xa: {  	s7 =	sand.u32 $0x1, s4;
	s0 =	sshrl.u32 s0, $0x7;
	s5 =	simm.s32 @!p0 $0x0  }
.Ltmp0:
0xb: {  	s6 =	sadd.s32 s7, s6;
	s0 =	sadd.s32 s5, s0;
	(pc) =	sbr.rel .LBB1_1-.Ltmp0, $4  }
0xc: {  	s25 =	simm.s32 $0x0;
	s14 =	smov.u32 s2;
	s0 =	smul.u32 s0, s6  }
0xd: {  	s4 =	rddreg [dreg:$0x1];
	_ =	strace $0x8000004A;
	s5 =	simm.s32 $0x1  }
0xe: {  	s7 =	sadd.s32 $0x800, s3;
	[sflag:s5] =	ssyncpa.u1 $0x0;
	s6 =	sshll.u32 s0, $0x2  }
0xf: {  	s13 =	smov.u32 s1;
	[sflag:s8] =	ssyncpa.u1 $0x0;
	s8 =	sor.u32 $0x1, s6  }
.LBB1_7:
0x10: {  	s0 =	sadd.s32 $0x100, s11  }
0x11: {  	s3 =	sadd.s32 $0x8, s12;
	s20 =	smov.u32 s12;
	p1 =	sgt.s32 s0, $0x3FF  }
0x12: {  	s20 =	smov.u32 @p1 s3  }
0x13: {  	s21 =	smov.u32 s13;
	s3 =	sadd.s32 $0x80, s13;
	p2 =	sgt.s32 s20, $0x7  }
0x14: {  	s21 =	smov.u32 @p2 s3  }
0x15: {  	s22 =	smov.u32 s14;
	s3 =	sadd.s32 $0x2, s14;
	p3 =	sgt.s32 s21, $0x3FF  }
0x16: {  	p0 =	slt.u32 s15, $0x2;
	s22 =	smov.u32 @p3 s3  }
0x17: {  	s16 =	smov.u32 s11;
	s0 =	simm.s32 @p1 $0x0;
	p1 =	sgt.s32 s22, $0x1  }
0x18: {  	s17 =	smov.u32 s12;
	s22 =	smov.u32 @p1 s2;
	p1 =	sne.s32 s15, s8  }
.Ltmp1:
0x19: {  	s19 =	smov.u32 s13;
	s18 =	smov.u32 s14;
	(pc) =	sbr.rel @!p1 .LBB1_8-.Ltmp1, $4  }
0x1a: {  	s10 =	sadd.s32 $0x4000, s10;
	s11 =	smov.u32 s0;
	s3 =	simm.s32 @!p0 $0x2  }
0x1b: {  	s20 =	simm.s32 @p2 $0x0;
	s21 =	smov.u32 @p3 s1;
	_ =	swait.ge @!p0 [sflag:s3], $0x4000  }
0x1c: {  	s12 =	smov.u32 s20;
	s13 =	smov.u32 s21;
	[sflag:s3] =	ssyncset.done @!p0 $0x0  }
0x1d: {  	s15 =	sadd.s32 $0x1, s15;
	[sflag:s3] =	ssyncadd.s32 @!p0 $0xFFFFC000;
	s14 =	smov.u32 s22  }
.LBB1_1:
0x1e: {  	p0 =	sge.u32 s15, s6  }
0x1f: {  	s31 =	sadd.s32 $0xFFFFFFFF, s15;
	s0 =	sxor.u32 @!p0 $0xFFFFFFFF, s15  }
0x20: {  	s3 =	sshll.u32 @!p0 s12, $0x7;
	s20 =	sand.u32 @!p0 $0x78, s11;
	s21 =	sshll.u32 @!p0 s14, $0x14  }
0x21: {  	s22 =	sand.u32 @!p0 $0x380, s11;
	s0 =	sshll.u32 @!p0 s0, $0xE;
	s3 =	sand.u32 @!p0 $0x380, s3  }
0x22: {  	s21 =	sadd.s32 @!p0 s7, s21;
	s3 =	sor.u32 @!p0 s20, s3;
	s20 =	sshll.u32 @!p0 s13, $0xA  }
0x23: {  	s0 =	sand.u32 @!p0 $0x4000, s0;
	s20 =	sadd.s32 @!p0 s20, s21;
	s21 =	sand.u32 @!p0 $0x7, s11  }
0x24: {  	s3 =	sshrl.u32 @!p0 s3, $0x3;
	s20 =	sadd.s32 @!p0 s22, s20;
	s21 =	sshll.u32 @!p0 s21, $0x12  }
0x25: {  	s3 =	sadd.s32 @!p0 s3, s20;
	s20 =	sor.u32 @!p0 $0x800, s21;
	s21 =	simm.s32 @!p0 $0x2000  }
0x26: {  	[tilespmem:s0], [sflag:$0x1] =	stream.strided.gather @!p0 [hbm4b:s3+s20], $0x4000, s21, s20, $0x38;
	[tilespmem:$0x10000] =	vst v63  }
0x27: {  	p0 =	sge.u32 s31, s6  }
.Ltmp2:
0x28: {  	_ = 	snop;
	(pc) =	sbr.rel @p0 .LBB1_7-.Ltmp2, $1  }
0x29: {  	_ =	sdelay $0x3  }
0x2a: {  	s0 =	sshll.u32 s10, $0x2;
	_ =	swait.ge [sflag:s5], $0x4000;
	s3 =	sshll.u32 s15, $0xE  }
0x2b: {  	p0 =	por $0x0, $0x0;
	s26 =	simm.s32 $0x0;
	s27 =	simm.s32 $0x0  }
0x2c: {  	s0 =	sand.u32 $0x10000, s0;
	[sflag:s5] =	ssyncset.done $0x0;
	s23 =	sand.u32 $0x4000, s3  }
0x2d: {  	s0 =	sshrl.u32 s0, $0x2;
	[sflag:s5] =	ssyncadd.s32 $0xFFFFC000;
	s20 =	sor.u32 $0x8000, s23  }
0x2e: {  	s21 =	sor.u32 $0x40, s0;
	s22 =	sor.u32 $0x8410, s0;
	s24 =	sadd.s32 $0x8400, s0  }
.LBB1_3:
0x2f: {  	v1 =	vld [tilespmem:s21+$0xFFFFFFD0]  }
0x30: {  	v2 =	vld [tilespmem:s21+$0x430]  }
0x31: {  	s0 =	sshll.u32 s27, $0xB;
	v4 =	vld [tilespmem:s21+$0xFFFFFFE0]  }
0x32: {  	v7 =	vld [tilespmem:s21+$0xFFFFFFF0];
	v0 =	vmov s0  }
0x33: {  	v8 =	vld [tilespmem:s21+$0x0]  }
0x34: {  	v9 =	vld [tilespmem:s21+$0x10];
	s0 =	sand.u32 $0x300, s25  }
0x35: {  	s3 =	sand.u32 $0x80, s25;
	v10 =	vld [tilespmem:s21+$0x20];
	s0 =	sadd.s32 s0, s23  }
0x36: {  	v11 =	vld [tilespmem:s21+$0x30];
	s0 =	sadd.s32 s3, s0;
	s3 =	simm.s32 $0x1;
	[tilespmem:s22+$0x60] =	vst v2  }
0x37: {  	s3 =	simm.s32 @!p0 $0x0;
	[tilespmem:s22+$0xFFFFFC00] =	vst v1;
	v3 =	vld.idx.msk [tilespmem:v0+s0+$0x400 ss:$0x1], $0xffff;
	s0 =	sshll.u32 s26, $0x2  }
0x38: {  	v6 =	vld [tilespmem:s21+$0x3D0];
	s3 =	sshll.u32 s3, $0x9;
	[tilespmem:s22+$0xFFFFFC10] =	vst v4;
	s0 =	sand.u32 $0xFFFFFC00, s0  }
0x39: {  	v5 =	vld [tilespmem:s21+$0x3E0];
	[tilespmem:s22+$0xFFFFFC20] =	vst v7;
	s0 =	sor.u32 s3, s0  }
0x3a: {  	[tilespmem:s22+$0xFFFFFC30] =	vst v8;
	v4 =	vld [tilespmem:s21+$0x400];
	s0 =	sshrl.u32 s0, $0x2  }
0x3b: {  	[tilespmem:s22+$0xFFFFFC40] =	vst v9;
	v1 =	vld [tilespmem:s21+$0x410];
	s28 =	sadd.s32 s0, s24  }
0x3c: {  	[tilespmem:s28+$0x0] =	vst v3;
	v3 =	vld [tilespmem:s21+$0x3F0]  }
0x3d: {  	s31 =	simm.s32 $0x100;
	[tilespmem:s22+$0xFFFFFC50] =	vst v10;
	v2 =	vld [tilespmem:s21+$0x420];
	s3 =	simm.s32 $0x80  }
0x3e: {  	s29 =	sadd.s32 $0x80, s21;
	s30 =	smov.u32 s22;
	v7 =	vld [tilespmem:s21+$0xFFFFFFC0];
	[tilespmem:s22+$0xFFFFFC60] =	vst v11;
	s0 =	sand.u32 $0x300, s3  }
.LBB1_4:
0x3f: {  	p1 =	sne.s32 s31, $0x380;
	v8 =	vld [tilespmem:s29+$0xFFFFFFD0];
	s3 =	sand.u32 $0x80, s3;
	s0 =	sadd.s32 s0, s23;
	[tilespmem:s30+$0x0] =	vst v6  }
0x40: {  	s0 =	sadd.s32 s3, s0;
	v6 =	vld [tilespmem:s29+$0x430];
	[tilespmem:s30+$0x10] =	vst v5;
	s3 =	smov.u32 s31  }
0x41: {  	v5 =	vld.idx.msk [tilespmem:v0+s0+$0x400 ss:$0x1], $0xffff;
	[tilespmem:s30+$0x20] =	vst v3  }
0x42: {  	v3 =	vld [tilespmem:s29+$0xFFFFFFE0];
	[tilespmem:s30+$0x30] =	vst v4  }
0x43: {  	v4 =	vld [tilespmem:s29+$0xFFFFFFF0];
	[tilespmem:s30+$0xFFFFFBF0] =	vst v7  }
0x44: {  	v7 =	vld [tilespmem:s29+$0x0];
	[tilespmem:s30+$0x40] =	vst v1  }
0x45: {  	v1 =	vld [tilespmem:s29+$0x10];
	[tilespmem:s30+$0x50] =	vst v2;
	s30 =	sadd.s32 $0x800, s30  }
0x46: {  	s28 =	sadd.s32 $0x800, s28;
	v2 =	vld [tilespmem:s29+$0x20];
	[tilespmem:s30+$0x60] =	vst v6  }
0x47: {  	v9 =	vld [tilespmem:s29+$0x30];
	[tilespmem:s28+$0x0] =	vst v5  }
0x48: {  	[tilespmem:s30+$0xFFFFFC00] =	vst v8;
	v6 =	vld [tilespmem:s29+$0x3D0]  }
0x49: {  	[tilespmem:s30+$0xFFFFFC10] =	vst v3;
	v5 =	vld [tilespmem:s29+$0x3E0]  }
.Ltmp3:
0x4a: {  	[tilespmem:s30+$0xFFFFFC20] =	vst v4;
	v3 =	vld [tilespmem:s29+$0x3F0];
	(pc) =	sbr.rel @p1 .LBB1_4-.Ltmp3, $4  }
0x4b: {  	[tilespmem:s30+$0xFFFFFC30] =	vst v7;
	v4 =	vld [tilespmem:s29+$0x400]  }
0x4c: {  	[tilespmem:s30+$0xFFFFFC40] =	vst v1;
	v1 =	vld [tilespmem:s29+$0x410]  }
0x4d: {  	[tilespmem:s30+$0xFFFFFC50] =	vst v2;
	v2 =	vld [tilespmem:s29+$0x420]  }
0x4e: {  	s31 =	sadd.s32 $0x80, s31;
	s0 =	sand.u32 $0x300, s3;
	v7 =	vld [tilespmem:s29+$0xFFFFFFC0];
	[tilespmem:s30+$0xFFFFFC60] =	vst v9;
	s29 =	sadd.s32 $0x80, s29  }
0x4f: {  	[tilespmem:s30+$0x0] =	vst v6  }
0x50: {  	[tilespmem:s30+$0x10] =	vst v5  }
0x51: {  	v49 =	vld [tilespmem:s29+$0x430];
	[tilespmem:s30+$0x20] =	vst v3  }
0x52: {  	v50 =	vld [tilespmem:s29+$0xFFFFFFD0];
	[tilespmem:s30+$0x30] =	vst v4  }
0x53: {  	v51 =	vld [tilespmem:s29+$0xFFFFFFE0];
	[tilespmem:s30+$0x40] =	vst v1  }
0x54: {  	v52 =	vld [tilespmem:s29+$0xFFFFFFF0];
	[tilespmem:s30+$0x50] =	vst v2  }
0x55: {  	v53 =	vld [tilespmem:s29+$0x0];
	[tilespmem:s30+$0xFFFFFBF0] =	vst v7;
	s30 =	sadd.s32 $0x800, s30  }
0x56: {  	v54 =	vld [tilespmem:s29+$0x10];
	[tilespmem:s30+$0x60] =	vst v49  }
0x57: {  	v55 =	vld [tilespmem:s29+$0x20];
	[tilespmem:s30+$0xFFFFFC00] =	vst v50  }
0x58: {  	v56 =	vld [tilespmem:s29+$0x30];
	[tilespmem:s30+$0xFFFFFC10] =	vst v51  }
0x59: {  	v57 =	vld [tilespmem:s29+$0x3D0];
	[tilespmem:s30+$0xFFFFFC20] =	vst v52  }
0x5a: {  	v58 =	vld [tilespmem:s29+$0x3E0];
	[tilespmem:s30+$0xFFFFFC30] =	vst v53  }
0x5b: {  	v59 =	vld [tilespmem:s29+$0x3F0];
	[tilespmem:s30+$0xFFFFFC40] =	vst v54  }
0x5c: {  	v60 =	vld [tilespmem:s29+$0x400];
	[tilespmem:s30+$0xFFFFFC50] =	vst v55  }
0x5d: {  	v61 =	vld [tilespmem:s29+$0xFFFFFFC0];
	[tilespmem:s30+$0xFFFFFC60] =	vst v56  }
0x5e: {  	s3 =	sand.u32 $0x80, s3;
	s0 =	sadd.s32 s0, s23;
	v62 =	vld [tilespmem:s29+$0x410];
	[tilespmem:s30+$0x0] =	vst v57  }
0x5f: {  	v63 =	vld [tilespmem:s29+$0x420];
	s27 =	sadd.s32 $0x1, s27;
	s0 =	sadd.s32 s3, s0;
	[tilespmem:s30+$0x10] =	vst v58  }
0x60: {  	p1 =	sne.s32 s27, $0x8;
	v0 =	vld.idx.msk [tilespmem:v0+s0+$0x400 ss:$0x1], $0xffff;
	[tilespmem:s30+$0x20] =	vst v59  }
.Ltmp4:
0x61: {  	[tilespmem:s30+$0x30] =	vst v60;
	(pc) =	sbr.rel @p1 .LBB1_3-.Ltmp4, $4  }
0x62: {  	[tilespmem:s30+$0xFFFFFBF0] =	vst v61  }
0x63: {  	[tilespmem:s30+$0x40] =	vst v62  }
0x64: {  	s31 =	sadd.s32 $0x800, s28;
	s21 =	sadd.s32 $0x800, s21;
	[tilespmem:s30+$0x50] =	vst v63  }
0x65: {  	s26 =	sadd.s32 $0x80, s26;
	p0 =	por !p0, !p0;
	s22 =	sadd.s32 $0x80, s22;
	[tilespmem:s31+$0x0] =	vst v0  }
0x66: {  	s0 =	sshll.u32 s19, $0x7  }
0x67: {  	s3 =	sand.u32 $0x78, s16;
	s18 =	sshll.u32 s18, $0x14;
	s17 =	sshll.u32 s17, $0x11  }
0x68: {  	s30 =	sand.u32 $0x7, s16;
	s19 =	sand.u32 $0x380, s0;
	s0 =	sand.u32 $0x1FC00, s0  }
.Ltmp5:
0x69: {  	s18 =	sadd.s32 s4, s18;
	s3 =	sor.u32 s19, s3;
	(pc) =	sbr.rel .LBB1_7-.Ltmp5, $4  }
0x6a: {  	s0 =	sadd.s32 s16, s0;
	s17 =	sadd.s32 s17, s18;
	s3 =	sshrl.u32 s3, $0x3  }
0x6b: {  	s16 =	sshll.u32 s30, $0x12;
	s0 =	sand.u32 $0x1FF80, s0;
	s3 =	sadd.s32 s3, s17  }
0x6c: {  	s31 =	sor.u32 $0x800, s16;
	s0 =	sadd.s32 s0, s3  }
0x6d: {  	[hbm4b:s0+s31] =	stream.strided.scatter [tilespmem:s20], [sflag:$0x2], $0x4000, s9, s31, $0x38;
	[tilespmem:$0x10000] =	vst v63  }
.LBB1_8:
0x6e: {  	_ =	sfence.sel $0x180000  }
0x6f: {  	s0 =	simm.s32 $0x1;
	[bflag:$0x0] =	sbarrier.arrive $0xFFFF  }
0x70: {  	s30 =	simm.s32 $0x2;
	[sflag:s0] =	ssyncpa.u1 $0x1  }
0x71: {  	[sflag:s30] =	ssyncpa.u1 $0x1  }
0x72: {  	_ =	strace $0x9000004A  }
0x73: {  	s31 =	stileid.u32;
	[bflag:$0x2] =	sbarrier.arrive $0xFFFF  }
0x74: {  	p0 =	sne.s32 s31, $0x0;
	s0 =	rddreg [dreg:$0x2]  }
0x75: {  	s0 =	sadd.s32 @!p0 $0x100000, s0  }
0x76: {  	[sflag:s0] =	ssyncadd.tile.s32 @!p0 $0x1;
	_ =	shalt  }
.Lfunc_end1:
_tile_overlayer_lowered:
.L_overlay_start_2:
0x77: {  	(tag) =	ssettag $0x2  }
0x78: {  	s0 =	rddreg [dreg:$0x0];
	s2 =	stileid.u32  }
0x79: {  	s1 =	rddreg [dreg:$0x1];
	p0 =	sne.s32 s2, $0x0  }
0x7a: {  	s3 =	rddreg [dreg:$0x2];
	[bflag:$0x3] =	sbarrier.arrive $0xFFFF;
	s2 =	simm.s32 @!p0 $0x1C01  }
0x7b: {  	[timem:s3], [sflag:s2] =	dma.local @!p0 [hbm:s0], s1  }
0x7c: {  	s0 =	simm.s32 @!p0 $0x1  }
0x7d: {  	_ =	swait.ge @!p0 [sflag:s0], s1  }
0x7e: {  	s1 =	ssub.s32 @!p0 $0x0, s1;
	[sflag:s0] =	ssyncset.done @!p0 $0x0  }
0x7f: {  	[sflag:s0] =	ssyncadd.s32 @!p0 s1  }
0x80: {  	[bflag:$0x3] =	sbarrier.arrive $0xFFFF  }
0x81: {  	_ =	shalt  }

</sc_bundles>
